<compile_context>
chip_gen: v7x
topology: tpu7x:2x2x1
jax: 0.10.2.dev20260603
libtpu: 0.0.44.dev20260713+nightly
codegen_flags: <defaults>
</compile_context>

<pallas_src>
import functools

import jax
import jax.numpy as jnp
from jax import lax
from jax.experimental import pallas as pl
from jax.experimental.pallas import tpu as pltpu
from jax.experimental.pallas import tpu_sc as plsc

_B = 512
_S = 1024
_R1 = 8192
_R2 = 24576
_R = _R1 + _R2
_NS = 256
_NM = 256
_NSMT = 4096
_LF = 1e-6
_NAL = 2.0
_EPS = 1e-30

_C1 = 1024
_CP = 2048
_CC = 2048
_HI = _R // 128
_NW = 32
_EPW = _NSMT // _NW



def _sigmoid(x):
    return 1.0 / (1.0 + jnp.exp(-x))


def _med(t_col):
    Tg = 10.0 + 290.0 * _sigmoid(1e-3 * t_col)
    return jnp.log(Tg / 300.0), 1.0 / Tg



def _make_sc_gather():
    mesh = plsc.VectorSubcoreMesh(core_axis_name="c", subcore_axis_name="s")

    @functools.partial(
        pl.kernel,
        mesh=mesh,
        out_type=[
            jax.ShapeDtypeStruct((_NSMT,), jnp.float32),
            jax.ShapeDtypeStruct((_NSMT,), jnp.float32),
            jax.ShapeDtypeStruct((_NSMT,), jnp.float32),
            jax.ShapeDtypeStruct((_NSMT,), jnp.float32),
            jax.ShapeDtypeStruct((_NSMT,), jnp.int32),
            jax.ShapeDtypeStruct((_NSMT,), jnp.int32),
            jax.ShapeDtypeStruct((_NSMT,), jnp.int32),
        ],
        scratch_types=[
            pltpu.VMEM((_EPW,), jnp.int32),
            pltpu.VMEM((_EPW,), jnp.float32),
            pltpu.VMEM((_EPW,), jnp.int32),
            pltpu.SemaphoreType.DMA,
        ],
    )
    def _sc7(a_hbm, b_hbm, g_hbm, k_hbm, r1_hbm, r2_hbm, p_hbm, smt_hbm,
             ao_hbm, bo_hbm, go_hbm, ko_hbm, r1o_hbm, r2o_hbm, po_hbm,
             idx_v, fbuf, ibuf, sem):
        wid = lax.axis_index("s") * 2 + lax.axis_index("c")
        off = wid * _EPW
        pltpu.sync_copy(smt_hbm.at[pl.ds(off, _EPW)], idx_v)
        for src, dst, buf in ((a_hbm, ao_hbm, fbuf), (b_hbm, bo_hbm, fbuf),
                              (g_hbm, go_hbm, fbuf), (k_hbm, ko_hbm, fbuf),
                              (r1_hbm, r1o_hbm, ibuf), (r2_hbm, r2o_hbm, ibuf),
                              (p_hbm, po_hbm, ibuf)):
            pltpu.async_copy(src.at[idx_v], buf, sem).wait()
            pltpu.sync_copy(buf, dst.at[pl.ds(off, _EPW)])

    return _sc7


def _gather_params(acat, bcat, gcat, kflat, r1cat, r2cat, pcat, smt):
    return _make_sc_gather()(acat, bcat, gcat, kflat, r1cat, r2cat, pcat, smt)



def _p1st_kernel(t_ref, y_ref, a_ref, b_ref, g_ref, r11_ref, p1_ref,
                 surf_ref, mant_ref, smtr_ref, smtc_ref,
                 ys_ref, ym_ref, cnt_ref, kmat_ref, dyp_ref):
    i = pl.program_id(0)

    @pl.when(i == 0)
    def _init():
        iota_s = jax.lax.broadcasted_iota(jnp.int32, (_S, _NS), 0)
        cnt = jnp.sum((iota_s == surf_ref[...]).astype(jnp.float32),
                      axis=1, keepdims=True)
        cntm = jnp.sum((iota_s == mant_ref[...]).astype(jnp.float32),
                       axis=1, keepdims=True)
        cnt_ref[...] = cnt
        ys_ref[...] = jnp.dot(y_ref[...], cnt,
                              preferred_element_type=jnp.float32)
        ym_ref[...] = jnp.dot(y_ref[...], cntm,
                              preferred_element_type=jnp.float32)
        hi_row = smtr_ref[...] // 128
        lo_col = smtc_ref[...] % 128
        mh = (jax.lax.broadcasted_iota(jnp.int32, (_HI, _NSMT), 0)
              == hi_row).astype(jnp.float32)
        ml = (jax.lax.broadcasted_iota(jnp.int32, (_NSMT, 128), 1)
              == lo_col).astype(jnp.float32)
        kmat_ref[...] = jnp.dot(mh, ml, preferred_element_type=jnp.float32)
        dyp_ref[...] = jnp.zeros_like(dyp_ref)

    L, invT = _med(t_ref[...])
    c = a_ref[...] * jnp.exp(b_ref[...] * L - g_ref[...] * invT)
    iota_sub = jax.lax.broadcasted_iota(jnp.int32, (_S, _CP), 0)
    G = (iota_sub == r11_ref[...]).astype(jnp.float32)
    P = (iota_sub == p1_ref[...]).astype(jnp.float32)
    yA = jnp.dot(y_ref[...], G, preferred_element_type=jnp.float32)
    ra = c * yA
    PG = P - G
    dyp_ref[...] += jax.lax.dot_general(
        ra, PG, (((1,), (1,)), ((), ())),
        preferred_element_type=jnp.float32)


def _p2nd_kernel(t_ref, y_ref, a_ref, b_ref, g_ref, r12_ref, r22_ref, p2_ref,
                 dyp1_ref, dyp_ref):
    i = pl.program_id(0)

    @pl.when(i == 0)
    def _init():
        dyp_ref[...] = dyp1_ref[...]

    t = t_ref[...]
    L, invT = _med(t)
    den = jnp.exp(4.0 + 2.0 * jnp.tanh(5e-4 * t))
    c = a_ref[...] * jnp.exp(b_ref[...] * L - g_ref[...] * invT)
    iota_sub = jax.lax.broadcasted_iota(jnp.int32, (_S, _CP), 0)
    Ga = (iota_sub == r12_ref[...]).astype(jnp.float32)
    Gb = (iota_sub == r22_ref[...]).astype(jnp.float32)
    P = (iota_sub == p2_ref[...]).astype(jnp.float32)
    yB1 = jnp.dot(y_ref[...], Ga, preferred_element_type=jnp.float32)
    yB2 = jnp.dot(y_ref[...], Gb, preferred_element_type=jnp.float32)
    rb = c * yB1 * yB2 * den
    PG = P - Ga - Gb
    dyp_ref[...] += jax.lax.dot_general(
        rb, PG, (((1,), (1,)), ((), ())),
        preferred_element_type=jnp.float32)


def _corr_kernel(t_ref, y_ref, as_ref, bs_ref, gs_ref, ks_ref,
                 r1r_ref, r2r_ref, pr_ref, smtr_ref,
                 cnt_ref, ys_ref, ym_ref, dyp_ref, dy_ref):
    i = pl.program_id(0)

    @pl.when(i == 0)
    def _init():
        dy_ref[...] = dyp_ref[...]

    t = t_ref[...]
    nl = _LF * (ys_ref[...] + ym_ref[...])
    decay = jnp.minimum(_NAL / (nl + _EPS), 1.0)
    net = jnp.dot(dyp_ref[...], cnt_ref[...],
                  preferred_element_type=jnp.float32)
    sc = decay * _sigmoid(net)
    lsc = jnp.log(sc)
    L, invT = _med(t)
    ld = 4.0 + 2.0 * jnp.tanh(5e-4 * t)
    is2r = (smtr_ref[...] >= _R1).astype(jnp.float32)
    c = as_ref[...] * jnp.exp(bs_ref[...] * L - gs_ref[...] * invT
                              + is2r * ld)
    iota_sub = jax.lax.broadcasted_iota(jnp.int32, (_S, _CC), 0)
    G1 = (iota_sub == r1r_ref[...]).astype(jnp.float32)
    G2 = (iota_sub == r2r_ref[...]).astype(jnp.float32)
    yA = jnp.dot(y_ref[...], G1, preferred_element_type=jnp.float32)
    yB = jnp.dot(y_ref[...], G2, preferred_element_type=jnp.float32)
    yB = is2r * yB + (1.0 - is2r)
    k = ks_ref[...]
    scale = (jnp.exp(k * lsc) - 1.0) / k
    contrib = c * yA * yB * scale
    Pt = (iota_sub == pr_ref[...]).astype(jnp.float32)
    Mt = Pt - G1 - is2r * G2
    dy_ref[...] += jax.lax.dot_general(
        contrib, Mt, (((1,), (1,)), ((), ())),
        preferred_element_type=jnp.float32)


def _row(x, n):
    return x.astype(jnp.int32).reshape(1, n)


def _col(x, n):
    return x.astype(jnp.int32).reshape(n, 1)


def kernel(t_in, y_in, alpha_1st, beta_1st, gamma_1st, alpha_2nd, beta_2nd,
           gamma_2nd, r1_1st, p_1st, r1_2nd, r2_2nd, p_2nd,
           inds_surf, inds_mant, inds_smt):
    f32 = jnp.float32
    i32 = jnp.int32
    t_col = t_in.astype(f32).reshape(_B, 1)
    y = y_in.astype(f32)
    a1 = alpha_1st.astype(f32).reshape(1, _R1)
    b1 = beta_1st.astype(f32).reshape(1, _R1)
    g1 = gamma_1st.astype(f32).reshape(1, _R1)
    a2 = alpha_2nd.astype(f32).reshape(1, _R2)
    b2 = beta_2nd.astype(f32).reshape(1, _R2)
    g2 = gamma_2nd.astype(f32).reshape(1, _R2)

    const = lambda *bs: pl.BlockSpec(bs, lambda i: (0,) * len(bs))
    rowblk = lambda c: pl.BlockSpec((1, c), lambda i: (0, i))
    colblk = lambda c: pl.BlockSpec((c, 1), lambda i: (i, 0))

    n1 = _R1 // _CP
    ysurf, ymant, cnt, kmat, dyp1 = pl.pallas_call(
        _p1st_kernel,
        grid=(n1,),
        in_specs=[
            const(_B, 1), const(_B, _S),
            rowblk(_CP), rowblk(_CP), rowblk(_CP),
            rowblk(_CP), rowblk(_CP),
            const(1, _NS), const(1, _NM),
            const(1, _NSMT), const(_NSMT, 1),
        ],
        out_specs=[
            const(_B, 1), const(_B, 1),
            const(_S, 1), const(_HI, 128), const(_B, _S),
        ],
        out_shape=[
            jax.ShapeDtypeStruct((_B, 1), f32),
            jax.ShapeDtypeStruct((_B, 1), f32),
            jax.ShapeDtypeStruct((_S, 1), f32),
            jax.ShapeDtypeStruct((_HI, 128), f32),
            jax.ShapeDtypeStruct((_B, _S), f32),
        ],
    )(t_col, y, a1, b1, g1, _row(r1_1st, _R1), _row(p_1st, _R1),
      _row(inds_surf, _NS), _row(inds_mant, _NM),
      _row(inds_smt, _NSMT), _col(inds_smt, _NSMT))

    n2 = _R2 // _CP
    dyp = pl.pallas_call(
        _p2nd_kernel,
        grid=(n2,),
        in_specs=[
            const(_B, 1), const(_B, _S),
            rowblk(_CP), rowblk(_CP), rowblk(_CP),
            rowblk(_CP), rowblk(_CP), rowblk(_CP),
            const(_B, _S),
        ],
        out_specs=const(_B, _S),
        out_shape=jax.ShapeDtypeStruct((_B, _S), f32),
    )(t_col, y, a2, b2, g2, _row(r1_2nd, _R2), _row(r2_2nd, _R2),
      _row(p_2nd, _R2), dyp1)

    acat = jnp.concatenate([alpha_1st, alpha_2nd]).astype(f32)
    bcat = jnp.concatenate([beta_1st, beta_2nd]).astype(f32)
    gcat = jnp.concatenate([gamma_1st, gamma_2nd]).astype(f32)
    r1cat = jnp.concatenate([r1_1st, r1_2nd]).astype(i32)
    r2cat = jnp.concatenate([r1_1st, r2_2nd]).astype(i32)
    pcat = jnp.concatenate([p_1st, p_2nd]).astype(i32)
    kflat = kmat.reshape(_R)
    smt = inds_smt.astype(i32)

    a_s, b_s, g_s, k_s, r1_s, r2_s, p_s = _gather_params(
        acat, bcat, gcat, kflat, r1cat, r2cat, pcat, smt)

    nc = _NSMT // _CC
    dy = pl.pallas_call(
        _corr_kernel,
        grid=(nc,),
        in_specs=[
            const(_B, 1), const(_B, _S),
            rowblk(_CC), rowblk(_CC), rowblk(_CC), rowblk(_CC),
            rowblk(_CC), rowblk(_CC), rowblk(_CC), rowblk(_CC),
            const(_S, 1), const(_B, 1), const(_B, 1),
            const(_B, _S),
        ],
        out_specs=const(_B, _S),
        out_shape=jax.ShapeDtypeStruct((_B, _S), f32),
    )(t_col, y,
      a_s.reshape(1, _NSMT), b_s.reshape(1, _NSMT), g_s.reshape(1, _NSMT),
      k_s.reshape(1, _NSMT),
      _row(r1_s, _NSMT), _row(r2_s, _NSMT), _row(p_s, _NSMT),
      _row(smt, _NSMT),
      cnt, ysurf, ymant, dyp)

    return dy

# --- scband reference (transcript-rebuilt; emitter-appended) ---
"""Pipeline reference for scband-three-phase-term-36979668419024 (READ-ONLY COPY).

The authoritative reference and input builder live on the scoring server;
editing this copy changes nothing except your own understanding.
"""

import jax, jax.numpy as jnp
import numpy as np

B = 512
S = 1024
R1 = 8192
R2 = 24576
N_SURF = 256
N_MANT = 256
N_SMT = 4096
LAYER_FACTOR = 1e-6
NUM_ACTIVE_LAYERS = 2.0
EPS = 1e-30


def setup_inputs(seed: int = 0) -> dict:
    key = jax.random.key(seed)
    ks = jax.random.split(key, 18)
    t_in = jax.random.uniform(ks[0], (B,), dtype=jnp.float32) * 1e6
    y_in = jax.random.uniform(ks[1], (B, S), dtype=jnp.float32)
    alpha_1st = jax.random.uniform(ks[2], (R1,), dtype=jnp.float32, minval=1e-12, maxval=1e-9)
    beta_1st = jax.random.uniform(ks[3], (R1,), dtype=jnp.float32, minval=-2.0, maxval=2.0)
    gamma_1st = jax.random.uniform(ks[4], (R1,), dtype=jnp.float32, minval=0.0, maxval=100.0)
    alpha_2nd = jax.random.uniform(ks[5], (R2,), dtype=jnp.float32, minval=1e-12, maxval=1e-9)
    beta_2nd = jax.random.uniform(ks[6], (R2,), dtype=jnp.float32, minval=-2.0, maxval=2.0)
    gamma_2nd = jax.random.uniform(ks[7], (R2,), dtype=jnp.float32, minval=0.0, maxval=100.0)
    r1_1st = jax.random.randint(ks[8], (R1,), 0, S)
    p_1st = jax.random.randint(ks[9], (R1,), 0, S)
    r1_2nd = jax.random.randint(ks[10], (R2,), 0, S)
    r2_2nd = jax.random.randint(ks[11], (R2,), 0, S)
    p_2nd = jax.random.randint(ks[12], (R2,), 0, S)
    inds_surf = jax.random.randint(ks[13], (N_SURF,), 0, S)
    inds_mant = jax.random.randint(ks[14], (N_MANT,), 0, S)
    inds_smt = jax.random.randint(ks[15], (N_SMT,), 0, R1 + R2)
    return {
        "t_in": t_in, "y_in": y_in,
        "alpha_1st": alpha_1st, "beta_1st": beta_1st, "gamma_1st": gamma_1st,
        "alpha_2nd": alpha_2nd, "beta_2nd": beta_2nd, "gamma_2nd": gamma_2nd,
        "r1_1st": r1_1st, "p_1st": p_1st,
        "r1_2nd": r1_2nd, "r2_2nd": r2_2nd, "p_2nd": p_2nd,
        "inds_surf": inds_surf, "inds_mant": inds_mant, "inds_smt": inds_smt,
    }


def reference(t_in, y_in, alpha_1st, beta_1st, gamma_1st, alpha_2nd, beta_2nd, gamma_2nd,
              r1_1st, p_1st, r1_2nd, r2_2nd, p_2nd, inds_surf, inds_mant, inds_smt):
    # module_med: medium parameters (gas temperature, gas density) from time
    Tg = 10.0 + 290.0 * jax.nn.sigmoid(1e-3 * t_in)           # [B]
    den_norm = jnp.exp(4.0 + 2.0 * jnp.tanh(5e-4 * t_in))[:, None]  # [B, 1]
    Tb = Tg[:, None]

    # rmod.assign_rate_coeffs: Arrhenius-type rate coefficients per reaction
    c1 = alpha_1st[None, :] * (Tb / 300.0) ** beta_1st[None, :] * jnp.exp(-gamma_1st[None, :] / Tb)  # [B, R1]
    c2 = alpha_2nd[None, :] * (Tb / 300.0) ** beta_2nd[None, :] * jnp.exp(-gamma_2nd[None, :] / Tb)  # [B, R2]
    coeffs = jnp.concatenate([c1, c2], axis=1)  # [B, R1+R2]

    # surface / mantle layer bookkeeping
    y_surf = jnp.sum(y_in[:, inds_surf], axis=-1, keepdims=True)
    y_mant = jnp.sum(y_in[:, inds_mant], axis=-1, keepdims=True)
    n_layer_surf = LAYER_FACTOR * y_surf
    n_layer_mant = LAYER_FACTOR * y_mant
    decay_factor = jnp.minimum(NUM_ACTIVE_LAYERS / (n_layer_surf + n_layer_mant + EPS), 1.0)

    def rates(cf):
        ra = cf[:, :R1] * y_in[:, r1_1st]                                    # [B, R1]
        rb = cf[:, R1:] * y_in[:, r1_2nd] * y_in[:, r2_2nd] * den_norm       # [B, R2]
        return ra, rb

    ra, rb = rates(coeffs)
    zb = jnp.zeros((t_in.shape[0], y_in.shape[1]), dtype=y_in.dtype)

    # asm_*_surf_gain: scatter-add production rates at product indices (segment reduce)
    g1 = zb.at[:, p_1st].add(ra)
    g2 = zb.at[:, p_2nd].add(rb)
    dy_surf_gain = jnp.sum((g1 + g2)[:, inds_surf], axis=-1, keepdims=True)

    # asm_*_surf_loss: scatter-add destruction rates at reactant indices
    l1 = zb.at[:, r1_1st].add(ra)
    l2 = zb.at[:, r1_2nd].add(rb).at[:, r2_2nd].add(rb)
    dy_surf_loss = -jnp.sum((l1 + l2)[:, inds_surf], axis=-1, keepdims=True)

    # rmod_smt.assign_rate_coeffs: modulate mantle-swap reaction coefficients
    smt_scale = decay_factor * jax.nn.sigmoid(dy_surf_gain + dy_surf_loss)   # [B, 1]
    coeffs = coeffs.at[:, inds_smt].multiply(smt_scale)

    # final RHS: asm_1st(y, coeffs, den) + asm_2nd(y, coeffs, den)
    ra, rb = rates(coeffs)
    dy1 = zb.at[:, p_1st].add(ra).at[:, r1_1st].add(-ra)
    dy2 = zb.at[:, p_2nd].add(rb).at[:, r1_2nd].add(-rb).at[:, r2_2nd].add(-rb)
    return dy1 + dy2


if False:  # reference __main__ guard neutralized (emitter)
    out = reference(**setup_inputs())
    print(out.shape, out.dtype)

if __name__ == "__main__":
    import jax
    _d = setup_inputs()
    print(jax.jit(kernel)(*tuple(_d.values())))

</pallas_src>

<mosaic_0001>
#map = affine_map<(d0, d1) -> (0)>
module attributes {stable_mosaic.version = 14 : i64} {
  func.func @_sc7(%arg0: i32, %arg1: i32, %arg2: memref<32768xf32, #tpu.memory_space<hbm>>, %arg3: memref<32768xf32, #tpu.memory_space<hbm>>, %arg4: memref<32768xf32, #tpu.memory_space<hbm>>, %arg5: memref<32768xf32, #tpu.memory_space<hbm>>, %arg6: memref<32768xi32, #tpu.memory_space<hbm>>, %arg7: memref<32768xi32, #tpu.memory_space<hbm>>, %arg8: memref<32768xi32, #tpu.memory_space<hbm>>, %arg9: memref<4096xi32, #tpu.memory_space<hbm>>, %arg10: memref<4096xf32, #tpu.memory_space<hbm>>, %arg11: memref<4096xf32, #tpu.memory_space<hbm>>, %arg12: memref<4096xf32, #tpu.memory_space<hbm>>, %arg13: memref<4096xf32, #tpu.memory_space<hbm>>, %arg14: memref<4096xi32, #tpu.memory_space<hbm>>, %arg15: memref<4096xi32, #tpu.memory_space<hbm>>, %arg16: memref<4096xi32, #tpu.memory_space<hbm>>, %arg17: memref<128xi32, #tpu.memory_space<vmem>>, %arg18: memref<128xf32, #tpu.memory_space<vmem>>, %arg19: memref<128xi32, #tpu.memory_space<vmem>>, %arg20: memref<!tpu.dma_semaphore, #tpu.memory_space<semaphore_mem>>) attributes {dimension_semantics = [#tpu.dimension_semantics<core_parallel>, #tpu.dimension_semantics<subcore_parallel>], iteration_bounds = array<i64: 2, 16>, scalar_prefetch = 0 : i64, scratch_operands = 4 : i64, tpu.core_type = #tpu.core_type<sc_vector_subcore>, window_params = [{transform_indices = #map}, {transform_indices = #map}, {transform_indices = #map}, {transform_indices = #map}, {transform_indices = #map}, {transform_indices = #map}, {transform_indices = #map}, {transform_indices = #map}, {transform_indices = #map}, {transform_indices = #map}, {transform_indices = #map}, {transform_indices = #map}, {transform_indices = #map}, {transform_indices = #map}, {transform_indices = #map}]} {
    %mul3A = arith.constant 2 : i32
    %mul3A_0 = arith.muli %arg1, %mul3A : i32
    %add3A = arith.addi %mul3A_0, %arg0 : i32
    %mul3A_1 = arith.constant 128 : i32
    %mul3A_2 = arith.muli %add3A, %mul3A_1 : i32
    "tpu.region"() ({
      %run_scoped3A = tpu.sem_alloc : memref<!tpu.dma_semaphore, #tpu.memory_space<semaphore_mem>>
      %dma_start3A_29 = tpu.memref_slice %arg9[%mul3A_2] : memref<4096xi32, #tpu.memory_space<hbm>> -> memref<128xi32, #tpu.memory_space<hbm>>
      %dma_start3A_30 = tpu.memref_slice %arg9[%mul3A_2] : memref<4096xi32, #tpu.memory_space<hbm>> -> memref<128xi32, #tpu.memory_space<hbm>>
      tpu.enqueue_dma source(%dma_start3A_30 : memref<128xi32, #tpu.memory_space<hbm>>) target(%arg17 : memref<128xi32, #tpu.memory_space<vmem>>) target_semaphore(%run_scoped3A : memref<!tpu.dma_semaphore, #tpu.memory_space<semaphore_mem>>)
      %dma_wait3A_31 = tpu.memref_slice %arg9[%mul3A_2] : memref<4096xi32, #tpu.memory_space<hbm>> -> memref<128xi32, #tpu.memory_space<hbm>>
      %dma_wait3A_32 = tpu.memref_slice %arg9[%mul3A_2] : memref<4096xi32, #tpu.memory_space<hbm>> -> memref<128xi32, #tpu.memory_space<hbm>>
      tpu.wait_dma2 semaphore(%run_scoped3A : memref<!tpu.dma_semaphore, #tpu.memory_space<semaphore_mem>>) src(%dma_wait3A_32 : memref<128xi32, #tpu.memory_space<hbm>>) dst(%arg17 : memref<128xi32, #tpu.memory_space<vmem>>)
      tpu.yield
    }) : () -> ()
    %dma_start3A = arith.constant 0 : i32
    %dma_start3A_3 = tpu.memref_slice %arg2[%dma_start3A] : memref<32768xf32, #tpu.memory_space<hbm>> -> memref<32768xf32, #tpu.memory_space<hbm>>
    tpu.enqueue_indirect_dma source(%dma_start3A_3 : memref<32768xf32, #tpu.memory_space<hbm>>) target(%arg18 : memref<128xf32, #tpu.memory_space<vmem>>) offsets(%arg17 : memref<128xi32, #tpu.memory_space<vmem>>) semaphore(%arg20 : memref<!tpu.dma_semaphore, #tpu.memory_space<semaphore_mem>>)
    %dma_wait3A = arith.constant 0 : i32
    %dma_wait3A_4 = tpu.memref_slice %arg2[%dma_wait3A] : memref<32768xf32, #tpu.memory_space<hbm>> -> memref<32768xf32, #tpu.memory_space<hbm>>
    tpu.wait_indirect_dma semaphore(%arg20 : memref<!tpu.dma_semaphore, #tpu.memory_space<semaphore_mem>>) src(%dma_wait3A_4 : memref<32768xf32, #tpu.memory_space<hbm>>) dst(%arg18 : memref<128xf32, #tpu.memory_space<vmem>>)
    "tpu.region"() ({
      %run_scoped3A = tpu.sem_alloc : memref<!tpu.dma_semaphore, #tpu.memory_space<semaphore_mem>>
      %dma_start3A_29 = tpu.memref_slice %arg10[%mul3A_2] : memref<4096xf32, #tpu.memory_space<hbm>> -> memref<128xf32, #tpu.memory_space<hbm>>
      %dma_start3A_30 = tpu.memref_slice %arg10[%mul3A_2] : memref<4096xf32, #tpu.memory_space<hbm>> -> memref<128xf32, #tpu.memory_space<hbm>>
      tpu.enqueue_dma source(%arg18 : memref<128xf32, #tpu.memory_space<vmem>>) target(%dma_start3A_30 : memref<128xf32, #tpu.memory_space<hbm>>) target_semaphore(%run_scoped3A : memref<!tpu.dma_semaphore, #tpu.memory_space<semaphore_mem>>)
      %dma_wait3A_31 = tpu.memref_slice %arg10[%mul3A_2] : memref<4096xf32, #tpu.memory_space<hbm>> -> memref<128xf32, #tpu.memory_space<hbm>>
      %dma_wait3A_32 = tpu.memref_slice %arg10[%mul3A_2] : memref<4096xf32, #tpu.memory_space<hbm>> -> memref<128xf32, #tpu.memory_space<hbm>>
      tpu.wait_dma2 semaphore(%run_scoped3A : memref<!tpu.dma_semaphore, #tpu.memory_space<semaphore_mem>>) src(%arg18 : memref<128xf32, #tpu.memory_space<vmem>>) dst(%dma_wait3A_32 : memref<128xf32, #tpu.memory_space<hbm>>)
      tpu.yield
    }) : () -> ()
    %dma_start3A_5 = arith.constant 0 : i32
    %dma_start3A_6 = tpu.memref_slice %arg3[%dma_start3A_5] : memref<32768xf32, #tpu.memory_space<hbm>> -> memref<32768xf32, #tpu.memory_space<hbm>>
    tpu.enqueue_indirect_dma source(%dma_start3A_6 : memref<32768xf32, #tpu.memory_space<hbm>>) target(%arg18 : memref<128xf32, #tpu.memory_space<vmem>>) offsets(%arg17 : memref<128xi32, #tpu.memory_space<vmem>>) semaphore(%arg20 : memref<!tpu.dma_semaphore, #tpu.memory_space<semaphore_mem>>)
    %dma_wait3A_7 = arith.constant 0 : i32
    %dma_wait3A_8 = tpu.memref_slice %arg3[%dma_wait3A_7] : memref<32768xf32, #tpu.memory_space<hbm>> -> memref<32768xf32, #tpu.memory_space<hbm>>
    tpu.wait_indirect_dma semaphore(%arg20 : memref<!tpu.dma_semaphore, #tpu.memory_space<semaphore_mem>>) src(%dma_wait3A_8 : memref<32768xf32, #tpu.memory_space<hbm>>) dst(%arg18 : memref<128xf32, #tpu.memory_space<vmem>>)
    "tpu.region"() ({
      %run_scoped3A = tpu.sem_alloc : memref<!tpu.dma_semaphore, #tpu.memory_space<semaphore_mem>>
      %dma_start3A_29 = tpu.memref_slice %arg11[%mul3A_2] : memref<4096xf32, #tpu.memory_space<hbm>> -> memref<128xf32, #tpu.memory_space<hbm>>
      %dma_start3A_30 = tpu.memref_slice %arg11[%mul3A_2] : memref<4096xf32, #tpu.memory_space<hbm>> -> memref<128xf32, #tpu.memory_space<hbm>>
      tpu.enqueue_dma source(%arg18 : memref<128xf32, #tpu.memory_space<vmem>>) target(%dma_start3A_30 : memref<128xf32, #tpu.memory_space<hbm>>) target_semaphore(%run_scoped3A : memref<!tpu.dma_semaphore, #tpu.memory_space<semaphore_mem>>)
      %dma_wait3A_31 = tpu.memref_slice %arg11[%mul3A_2] : memref<4096xf32, #tpu.memory_space<hbm>> -> memref<128xf32, #tpu.memory_space<hbm>>
      %dma_wait3A_32 = tpu.memref_slice %arg11[%mul3A_2] : memref<4096xf32, #tpu.memory_space<hbm>> -> memref<128xf32, #tpu.memory_space<hbm>>
      tpu.wait_dma2 semaphore(%run_scoped3A : memref<!tpu.dma_semaphore, #tpu.memory_space<semaphore_mem>>) src(%arg18 : memref<128xf32, #tpu.memory_space<vmem>>) dst(%dma_wait3A_32 : memref<128xf32, #tpu.memory_space<hbm>>)
      tpu.yield
    }) : () -> ()
    %dma_start3A_9 = arith.constant 0 : i32
    %dma_start3A_10 = tpu.memref_slice %arg4[%dma_start3A_9] : memref<32768xf32, #tpu.memory_space<hbm>> -> memref<32768xf32, #tpu.memory_space<hbm>>
    tpu.enqueue_indirect_dma source(%dma_start3A_10 : memref<32768xf32, #tpu.memory_space<hbm>>) target(%arg18 : memref<128xf32, #tpu.memory_space<vmem>>) offsets(%arg17 : memref<128xi32, #tpu.memory_space<vmem>>) semaphore(%arg20 : memref<!tpu.dma_semaphore, #tpu.memory_space<semaphore_mem>>)
    %dma_wait3A_11 = arith.constant 0 : i32
    %dma_wait3A_12 = tpu.memref_slice %arg4[%dma_wait3A_11] : memref<32768xf32, #tpu.memory_space<hbm>> -> memref<32768xf32, #tpu.memory_space<hbm>>
    tpu.wait_indirect_dma semaphore(%arg20 : memref<!tpu.dma_semaphore, #tpu.memory_space<semaphore_mem>>) src(%dma_wait3A_12 : memref<32768xf32, #tpu.memory_space<hbm>>) dst(%arg18 : memref<128xf32, #tpu.memory_space<vmem>>)
    "tpu.region"() ({
      %run_scoped3A = tpu.sem_alloc : memref<!tpu.dma_semaphore, #tpu.memory_space<semaphore_mem>>
      %dma_start3A_29 = tpu.memref_slice %arg12[%mul3A_2] : memref<4096xf32, #tpu.memory_space<hbm>> -> memref<128xf32, #tpu.memory_space<hbm>>
      %dma_start3A_30 = tpu.memref_slice %arg12[%mul3A_2] : memref<4096xf32, #tpu.memory_space<hbm>> -> memref<128xf32, #tpu.memory_space<hbm>>
      tpu.enqueue_dma source(%arg18 : memref<128xf32, #tpu.memory_space<vmem>>) target(%dma_start3A_30 : memref<128xf32, #tpu.memory_space<hbm>>) target_semaphore(%run_scoped3A : memref<!tpu.dma_semaphore, #tpu.memory_space<semaphore_mem>>)
      %dma_wait3A_31 = tpu.memref_slice %arg12[%mul3A_2] : memref<4096xf32, #tpu.memory_space<hbm>> -> memref<128xf32, #tpu.memory_space<hbm>>
      %dma_wait3A_32 = tpu.memref_slice %arg12[%mul3A_2] : memref<4096xf32, #tpu.memory_space<hbm>> -> memref<128xf32, #tpu.memory_space<hbm>>
      tpu.wait_dma2 semaphore(%run_scoped3A : memref<!tpu.dma_semaphore, #tpu.memory_space<semaphore_mem>>) src(%arg18 : memref<128xf32, #tpu.memory_space<vmem>>) dst(%dma_wait3A_32 : memref<128xf32, #tpu.memory_space<hbm>>)
      tpu.yield
    }) : () -> ()
    %dma_start3A_13 = arith.constant 0 : i32
    %dma_start3A_14 = tpu.memref_slice %arg5[%dma_start3A_13] : memref<32768xf32, #tpu.memory_space<hbm>> -> memref<32768xf32, #tpu.memory_space<hbm>>
    tpu.enqueue_indirect_dma source(%dma_start3A_14 : memref<32768xf32, #tpu.memory_space<hbm>>) target(%arg18 : memref<128xf32, #tpu.memory_space<vmem>>) offsets(%arg17 : memref<128xi32, #tpu.memory_space<vmem>>) semaphore(%arg20 : memref<!tpu.dma_semaphore, #tpu.memory_space<semaphore_mem>>)
    %dma_wait3A_15 = arith.constant 0 : i32
    %dma_wait3A_16 = tpu.memref_slice %arg5[%dma_wait3A_15] : memref<32768xf32, #tpu.memory_space<hbm>> -> memref<32768xf32, #tpu.memory_space<hbm>>
    tpu.wait_indirect_dma semaphore(%arg20 : memref<!tpu.dma_semaphore, #tpu.memory_space<semaphore_mem>>) src(%dma_wait3A_16 : memref<32768xf32, #tpu.memory_space<hbm>>) dst(%arg18 : memref<128xf32, #tpu.memory_space<vmem>>)
    "tpu.region"() ({
      %run_scoped3A = tpu.sem_alloc : memref<!tpu.dma_semaphore, #tpu.memory_space<semaphore_mem>>
      %dma_start3A_29 = tpu.memref_slice %arg13[%mul3A_2] : memref<4096xf32, #tpu.memory_space<hbm>> -> memref<128xf32, #tpu.memory_space<hbm>>
      %dma_start3A_30 = tpu.memref_slice %arg13[%mul3A_2] : memref<4096xf32, #tpu.memory_space<hbm>> -> memref<128xf32, #tpu.memory_space<hbm>>
      tpu.enqueue_dma source(%arg18 : memref<128xf32, #tpu.memory_space<vmem>>) target(%dma_start3A_30 : memref<128xf32, #tpu.memory_space<hbm>>) target_semaphore(%run_scoped3A : memref<!tpu.dma_semaphore, #tpu.memory_space<semaphore_mem>>)
      %dma_wait3A_31 = tpu.memref_slice %arg13[%mul3A_2] : memref<4096xf32, #tpu.memory_space<hbm>> -> memref<128xf32, #tpu.memory_space<hbm>>
      %dma_wait3A_32 = tpu.memref_slice %arg13[%mul3A_2] : memref<4096xf32, #tpu.memory_space<hbm>> -> memref<128xf32, #tpu.memory_space<hbm>>
      tpu.wait_dma2 semaphore(%run_scoped3A : memref<!tpu.dma_semaphore, #tpu.memory_space<semaphore_mem>>) src(%arg18 : memref<128xf32, #tpu.memory_space<vmem>>) dst(%dma_wait3A_32 : memref<128xf32, #tpu.memory_space<hbm>>)
      tpu.yield
    }) : () -> ()
    %dma_start3A_17 = arith.constant 0 : i32
    %dma_start3A_18 = tpu.memref_slice %arg6[%dma_start3A_17] : memref<32768xi32, #tpu.memory_space<hbm>> -> memref<32768xi32, #tpu.memory_space<hbm>>
    tpu.enqueue_indirect_dma source(%dma_start3A_18 : memref<32768xi32, #tpu.memory_space<hbm>>) target(%arg19 : memref<128xi32, #tpu.memory_space<vmem>>) offsets(%arg17 : memref<128xi32, #tpu.memory_space<vmem>>) semaphore(%arg20 : memref<!tpu.dma_semaphore, #tpu.memory_space<semaphore_mem>>)
    %dma_wait3A_19 = arith.constant 0 : i32
    %dma_wait3A_20 = tpu.memref_slice %arg6[%dma_wait3A_19] : memref<32768xi32, #tpu.memory_space<hbm>> -> memref<32768xi32, #tpu.memory_space<hbm>>
    tpu.wait_indirect_dma semaphore(%arg20 : memref<!tpu.dma_semaphore, #tpu.memory_space<semaphore_mem>>) src(%dma_wait3A_20 : memref<32768xi32, #tpu.memory_space<hbm>>) dst(%arg19 : memref<128xi32, #tpu.memory_space<vmem>>)
    "tpu.region"() ({
      %run_scoped3A = tpu.sem_alloc : memref<!tpu.dma_semaphore, #tpu.memory_space<semaphore_mem>>
      %dma_start3A_29 = tpu.memref_slice %arg14[%mul3A_2] : memref<4096xi32, #tpu.memory_space<hbm>> -> memref<128xi32, #tpu.memory_space<hbm>>
      %dma_start3A_30 = tpu.memref_slice %arg14[%mul3A_2] : memref<4096xi32, #tpu.memory_space<hbm>> -> memref<128xi32, #tpu.memory_space<hbm>>
      tpu.enqueue_dma source(%arg19 : memref<128xi32, #tpu.memory_space<vmem>>) target(%dma_start3A_30 : memref<128xi32, #tpu.memory_space<hbm>>) target_semaphore(%run_scoped3A : memref<!tpu.dma_semaphore, #tpu.memory_space<semaphore_mem>>)
      %dma_wait3A_31 = tpu.memref_slice %arg14[%mul3A_2] : memref<4096xi32, #tpu.memory_space<hbm>> -> memref<128xi32, #tpu.memory_space<hbm>>
      %dma_wait3A_32 = tpu.memref_slice %arg14[%mul3A_2] : memref<4096xi32, #tpu.memory_space<hbm>> -> memref<128xi32, #tpu.memory_space<hbm>>
      tpu.wait_dma2 semaphore(%run_scoped3A : memref<!tpu.dma_semaphore, #tpu.memory_space<semaphore_mem>>) src(%arg19 : memref<128xi32, #tpu.memory_space<vmem>>) dst(%dma_wait3A_32 : memref<128xi32, #tpu.memory_space<hbm>>)
      tpu.yield
    }) : () -> ()
    %dma_start3A_21 = arith.constant 0 : i32
    %dma_start3A_22 = tpu.memref_slice %arg7[%dma_start3A_21] : memref<32768xi32, #tpu.memory_space<hbm>> -> memref<32768xi32, #tpu.memory_space<hbm>>
    tpu.enqueue_indirect_dma source(%dma_start3A_22 : memref<32768xi32, #tpu.memory_space<hbm>>) target(%arg19 : memref<128xi32, #tpu.memory_space<vmem>>) offsets(%arg17 : memref<128xi32, #tpu.memory_space<vmem>>) semaphore(%arg20 : memref<!tpu.dma_semaphore, #tpu.memory_space<semaphore_mem>>)
    %dma_wait3A_23 = arith.constant 0 : i32
    %dma_wait3A_24 = tpu.memref_slice %arg7[%dma_wait3A_23] : memref<32768xi32, #tpu.memory_space<hbm>> -> memref<32768xi32, #tpu.memory_space<hbm>>
    tpu.wait_indirect_dma semaphore(%arg20 : memref<!tpu.dma_semaphore, #tpu.memory_space<semaphore_mem>>) src(%dma_wait3A_24 : memref<32768xi32, #tpu.memory_space<hbm>>) dst(%arg19 : memref<128xi32, #tpu.memory_space<vmem>>)
    "tpu.region"() ({
      %run_scoped3A = tpu.sem_alloc : memref<!tpu.dma_semaphore, #tpu.memory_space<semaphore_mem>>
      %dma_start3A_29 = tpu.memref_slice %arg15[%mul3A_2] : memref<4096xi32, #tpu.memory_space<hbm>> -> memref<128xi32, #tpu.memory_space<hbm>>
      %dma_start3A_30 = tpu.memref_slice %arg15[%mul3A_2] : memref<4096xi32, #tpu.memory_space<hbm>> -> memref<128xi32, #tpu.memory_space<hbm>>
      tpu.enqueue_dma source(%arg19 : memref<128xi32, #tpu.memory_space<vmem>>) target(%dma_start3A_30 : memref<128xi32, #tpu.memory_space<hbm>>) target_semaphore(%run_scoped3A : memref<!tpu.dma_semaphore, #tpu.memory_space<semaphore_mem>>)
      %dma_wait3A_31 = tpu.memref_slice %arg15[%mul3A_2] : memref<4096xi32, #tpu.memory_space<hbm>> -> memref<128xi32, #tpu.memory_space<hbm>>
      %dma_wait3A_32 = tpu.memref_slice %arg15[%mul3A_2] : memref<4096xi32, #tpu.memory_space<hbm>> -> memref<128xi32, #tpu.memory_space<hbm>>
      tpu.wait_dma2 semaphore(%run_scoped3A : memref<!tpu.dma_semaphore, #tpu.memory_space<semaphore_mem>>) src(%arg19 : memref<128xi32, #tpu.memory_space<vmem>>) dst(%dma_wait3A_32 : memref<128xi32, #tpu.memory_space<hbm>>)
      tpu.yield
    }) : () -> ()
    %dma_start3A_25 = arith.constant 0 : i32
    %dma_start3A_26 = tpu.memref_slice %arg8[%dma_start3A_25] : memref<32768xi32, #tpu.memory_space<hbm>> -> memref<32768xi32, #tpu.memory_space<hbm>>
    tpu.enqueue_indirect_dma source(%dma_start3A_26 : memref<32768xi32, #tpu.memory_space<hbm>>) target(%arg19 : memref<128xi32, #tpu.memory_space<vmem>>) offsets(%arg17 : memref<128xi32, #tpu.memory_space<vmem>>) semaphore(%arg20 : memref<!tpu.dma_semaphore, #tpu.memory_space<semaphore_mem>>)
    %dma_wait3A_27 = arith.constant 0 : i32
    %dma_wait3A_28 = tpu.memref_slice %arg8[%dma_wait3A_27] : memref<32768xi32, #tpu.memory_space<hbm>> -> memref<32768xi32, #tpu.memory_space<hbm>>
    tpu.wait_indirect_dma semaphore(%arg20 : memref<!tpu.dma_semaphore, #tpu.memory_space<semaphore_mem>>) src(%dma_wait3A_28 : memref<32768xi32, #tpu.memory_space<hbm>>) dst(%arg19 : memref<128xi32, #tpu.memory_space<vmem>>)
    "tpu.region"() ({
      %run_scoped3A = tpu.sem_alloc : memref<!tpu.dma_semaphore, #tpu.memory_space<semaphore_mem>>
      %dma_start3A_29 = tpu.memref_slice %arg16[%mul3A_2] : memref<4096xi32, #tpu.memory_space<hbm>> -> memref<128xi32, #tpu.memory_space<hbm>>
      %dma_start3A_30 = tpu.memref_slice %arg16[%mul3A_2] : memref<4096xi32, #tpu.memory_space<hbm>> -> memref<128xi32, #tpu.memory_space<hbm>>
      tpu.enqueue_dma source(%arg19 : memref<128xi32, #tpu.memory_space<vmem>>) target(%dma_start3A_30 : memref<128xi32, #tpu.memory_space<hbm>>) target_semaphore(%run_scoped3A : memref<!tpu.dma_semaphore, #tpu.memory_space<semaphore_mem>>)
      %dma_wait3A_31 = tpu.memref_slice %arg16[%mul3A_2] : memref<4096xi32, #tpu.memory_space<hbm>> -> memref<128xi32, #tpu.memory_space<hbm>>
      %dma_wait3A_32 = tpu.memref_slice %arg16[%mul3A_2] : memref<4096xi32, #tpu.memory_space<hbm>> -> memref<128xi32, #tpu.memory_space<hbm>>
      tpu.wait_dma2 semaphore(%run_scoped3A : memref<!tpu.dma_semaphore, #tpu.memory_space<semaphore_mem>>) src(%arg19 : memref<128xi32, #tpu.memory_space<vmem>>) dst(%dma_wait3A_32 : memref<128xi32, #tpu.memory_space<hbm>>)
      tpu.yield
    }) : () -> ()
    return
  }
}

module attributes {stable_mosaic.version = 14 : i64} {
  func.func @_p2nd_kernel(%arg0: i32, %arg1: memref<512x1xf32, #tpu.memory_space<vmem>>, %arg2: memref<512x1024xf32, #tpu.memory_space<vmem>>, %arg3: memref<1x2048xf32, #tpu.memory_space<vmem>>, %arg4: memref<1x2048xf32, #tpu.memory_space<vmem>>, %arg5: memref<1x2048xf32, #tpu.memory_space<vmem>>, %arg6: memref<1x2048xi32, #tpu.memory_space<vmem>>, %arg7: memref<1x2048xi32, #tpu.memory_space<vmem>>, %arg8: memref<1x2048xi32, #tpu.memory_space<vmem>>, %arg9: memref<512x1024xf32, #tpu.memory_space<vmem>>, %arg10: memref<512x1024xf32, #tpu.memory_space<vmem>>) attributes {dimension_semantics = [#tpu.dimension_semantics<arbitrary>], iteration_bounds = array<i64: 12>, scalar_prefetch = 0 : i64, scratch_operands = 0 : i64, tpu.core_type = #tpu.core_type<tc>, window_params = [{pipeline_mode = #tpu.pipeline_mode<synchronous>, transform_indices = @transform_0, window_bounds = array<i64: 512, 1>}, {pipeline_mode = #tpu.pipeline_mode<synchronous>, transform_indices = @transform_1, window_bounds = array<i64: 512, 1024>}, {transform_indices = @transform_2, window_bounds = array<i64: 1, 2048>}, {transform_indices = @transform_3, window_bounds = array<i64: 1, 2048>}, {transform_indices = @transform_4, window_bounds = array<i64: 1, 2048>}, {transform_indices = @transform_5, window_bounds = array<i64: 1, 2048>}, {transform_indices = @transform_6, window_bounds = array<i64: 1, 2048>}, {transform_indices = @transform_7, window_bounds = array<i64: 1, 2048>}, {pipeline_mode = #tpu.pipeline_mode<synchronous>, transform_indices = @transform_8, window_bounds = array<i64: 512, 1024>}, {pipeline_mode = #tpu.pipeline_mode<synchronous>, transform_indices = @transform_9, window_bounds = array<i64: 512, 1024>}]} {
    %eq3A = arith.constant 0 : i32
    %eq3A_0 = arith.cmpi eq, %arg0, %eq3A : i32
    %convert_element_type3A = arith.extui %eq3A_0 : i1 to i32
    %cond3A = arith.constant 0 : i32
    %cond3A_1 = arith.cmpi ne, %convert_element_type3A, %cond3A : i32
    scf.if %cond3A_1 {
      %get3A_96 = arith.constant 0 : index
      %get3A_97 = arith.constant 0 : index
      %get3A_98 = vector.load %arg9[%get3A_96, %get3A_97] : memref<512x1024xf32, #tpu.memory_space<vmem>>, vector<512x1024xf32>
      %swap3A_99 = arith.constant 0 : index
      %swap3A_100 = arith.constant 0 : index
      %swap3A_101 = vector.load %arg10[%swap3A_99, %swap3A_100] : memref<512x1024xf32, #tpu.memory_space<vmem>>, vector<512x1024xf32>
      tpu.vector_store %arg10[%swap3A_99, %swap3A_100], %get3A_98 {strides = array<i32>} : memref<512x1024xf32, #tpu.memory_space<vmem>>, vector<512x1024xf32>,
    } else {
    }
    %get3A = arith.constant 0 : index
    %get3A_2 = arith.constant 0 : index
    %get3A_3 = vector.load %arg1[%get3A, %get3A_2] : memref<512x1xf32, #tpu.memory_space<vmem>>, vector<512x1xf32>
    %mul3A = arith.constant 1.000000e-03 : f32
    %mul3A_4 = vector.broadcast %mul3A : f32 to vector<512x1xf32>
    %mul3A_5 = arith.mulf %mul3A_4, %get3A_3 : vector<512x1xf32>
    %neg3A = arith.constant 0.000000e+00 : f32
    %neg3A_6 = vector.broadcast %neg3A : f32 to vector<512x1xf32>
    %neg3A_7 = arith.subf %neg3A_6, %mul3A_5 : vector<512x1xf32>
    %exp3A = math.exp %neg3A_7 : vector<512x1xf32>
    %add3A = arith.constant 1.000000e+00 : f32
    %add3A_8 = vector.broadcast %add3A : f32 to vector<512x1xf32>
    %add3A_9 = arith.addf %add3A_8, %exp3A : vector<512x1xf32>
    %div3A = arith.constant 1.000000e+00 : f32
    %div3A_10 = vector.broadcast %div3A : f32 to vector<512x1xf32>
    %div3A_11 = arith.divf %div3A_10, %add3A_9 : vector<512x1xf32>
    %mul3A_12 = arith.constant 2.900000e+02 : f32
    %mul3A_13 = vector.broadcast %mul3A_12 : f32 to vector<512x1xf32>
    %mul3A_14 = arith.mulf %mul3A_13, %div3A_11 : vector<512x1xf32>
    %add3A_15 = arith.constant 1.000000e+01 : f32
    %add3A_16 = vector.broadcast %add3A_15 : f32 to vector<512x1xf32>
    %add3A_17 = arith.addf %add3A_16, %mul3A_14 : vector<512x1xf32>
    %div3A_18 = arith.constant 3.000000e+02 : f32
    %div3A_19 = vector.broadcast %div3A_18 : f32 to vector<512x1xf32>
    %div3A_20 = arith.divf %add3A_17, %div3A_19 : vector<512x1xf32>
    %log3A = math.log %div3A_20 : vector<512x1xf32>
    %div3A_21 = arith.constant 1.000000e+00 : f32
    %div3A_22 = vector.broadcast %div3A_21 : f32 to vector<512x1xf32>
    %div3A_23 = arith.divf %div3A_22, %add3A_17 : vector<512x1xf32>
    %mul3A_24 = arith.constant 5.000000e-04 : f32
    %mul3A_25 = vector.broadcast %mul3A_24 : f32 to vector<512x1xf32>
    %mul3A_26 = arith.mulf %mul3A_25, %get3A_3 : vector<512x1xf32>
    %tanh3A = math.tanh %mul3A_26 : vector<512x1xf32>
    %mul3A_27 = arith.constant 2.000000e+00 : f32
    %mul3A_28 = vector.broadcast %mul3A_27 : f32 to vector<512x1xf32>
    %mul3A_29 = arith.mulf %mul3A_28, %tanh3A : vector<512x1xf32>
    %add3A_30 = arith.constant 4.000000e+00 : f32
    %add3A_31 = vector.broadcast %add3A_30 : f32 to vector<512x1xf32>
    %add3A_32 = arith.addf %add3A_31, %mul3A_29 : vector<512x1xf32>
    %exp3A_33 = math.exp %add3A_32 : vector<512x1xf32>
    %get3A_34 = arith.constant 0 : index
    %get3A_35 = arith.constant 0 : index
    %get3A_36 = vector.load %arg3[%get3A_34, %get3A_35] : memref<1x2048xf32, #tpu.memory_space<vmem>>, vector<1x2048xf32>
    %get3A_37 = arith.constant 0 : index
    %get3A_38 = arith.constant 0 : index
    %get3A_39 = vector.load %arg4[%get3A_37, %get3A_38] : memref<1x2048xf32, #tpu.memory_space<vmem>>, vector<1x2048xf32>
    %mul3A_40 = vector.broadcast %get3A_39 : vector<1x2048xf32> to vector<512x2048xf32>
    %mul3A_41 = vector.broadcast %log3A : vector<512x1xf32> to vector<512x2048xf32>
    %mul3A_42 = arith.mulf %mul3A_40, %mul3A_41 : vector<512x2048xf32>
    %get3A_43 = arith.constant 0 : index
    %get3A_44 = arith.constant 0 : index
    %get3A_45 = vector.load %arg5[%get3A_43, %get3A_44] : memref<1x2048xf32, #tpu.memory_space<vmem>>, vector<1x2048xf32>
    %mul3A_46 = vector.broadcast %get3A_45 : vector<1x2048xf32> to vector<512x2048xf32>
    %mul3A_47 = vector.broadcast %div3A_23 : vector<512x1xf32> to vector<512x2048xf32>
    %mul3A_48 = arith.mulf %mul3A_46, %mul3A_47 : vector<512x2048xf32>
    %sub3A = arith.subf %mul3A_42, %mul3A_48 : vector<512x2048xf32>
    %exp3A_49 = math.exp %sub3A : vector<512x2048xf32>
    %mul3A_50 = vector.broadcast %get3A_36 : vector<1x2048xf32> to vector<512x2048xf32>
    %mul3A_51 = arith.mulf %mul3A_50, %exp3A_49 : vector<512x2048xf32>
    %iota3A = tpu.iota {dimensions = array<i32: 0>} : vector<1024x2048xi32>
    %get3A_52 = arith.constant 0 : index
    %get3A_53 = arith.constant 0 : index
    %get3A_54 = vector.load %arg6[%get3A_52, %get3A_53] : memref<1x2048xi32, #tpu.memory_space<vmem>>, vector<1x2048xi32>
    %eq3A_55 = vector.broadcast %get3A_54 : vector<1x2048xi32> to vector<1024x2048xi32>
    %eq3A_56 = arith.cmpi eq, %iota3A, %eq3A_55 : vector<1024x2048xi32>
    %convert_element_type3A_57 = arith.extui %eq3A_56 : vector<1024x2048xi1> to vector<1024x2048xi32>
    %convert_element_type3A_58 = arith.sitofp %convert_element_type3A_57 : vector<1024x2048xi32> to vector<1024x2048xf32>
    %get3A_59 = arith.constant 0 : index
    %get3A_60 = arith.constant 0 : index
    %get3A_61 = vector.load %arg7[%get3A_59, %get3A_60] : memref<1x2048xi32, #tpu.memory_space<vmem>>, vector<1x2048xi32>
    %eq3A_62 = vector.broadcast %get3A_61 : vector<1x2048xi32> to vector<1024x2048xi32>
    %eq3A_63 = arith.cmpi eq, %iota3A, %eq3A_62 : vector<1024x2048xi32>
    %convert_element_type3A_64 = arith.extui %eq3A_63 : vector<1024x2048xi1> to vector<1024x2048xi32>
    %convert_element_type3A_65 = arith.sitofp %convert_element_type3A_64 : vector<1024x2048xi32> to vector<1024x2048xf32>
    %get3A_66 = arith.constant 0 : index
    %get3A_67 = arith.constant 0 : index
    %get3A_68 = vector.load %arg8[%get3A_66, %get3A_67] : memref<1x2048xi32, #tpu.memory_space<vmem>>, vector<1x2048xi32>
    %eq3A_69 = vector.broadcast %get3A_68 : vector<1x2048xi32> to vector<1024x2048xi32>
    %eq3A_70 = arith.cmpi eq, %iota3A, %eq3A_69 : vector<1024x2048xi32>
    %convert_element_type3A_71 = arith.extui %eq3A_70 : vector<1024x2048xi1> to vector<1024x2048xi32>
    %convert_element_type3A_72 = arith.sitofp %convert_element_type3A_71 : vector<1024x2048xi32> to vector<1024x2048xf32>
    %get3A_73 = arith.constant 0 : index
    %get3A_74 = arith.constant 0 : index
    %get3A_75 = vector.load %arg2[%get3A_73, %get3A_74] : memref<512x1024xf32, #tpu.memory_space<vmem>>, vector<512x1024xf32>
    %dot_general3A = arith.constant dense<0.000000e+00> : vector<512x2048xf32>
    %dot_general3A_76 = tpu.matmul %get3A_75, %convert_element_type3A_58, %dot_general3A {dimension_numbers = #tpu.dot_dimension_numbers<[1], [0], [0], [1], [0, 0, 1, 1], [], []>, transpose_lhs_hint = false} : vector<512x1024xf32>, vector<1024x2048xf32>, vector<512x2048xf32> -> vector<512x2048xf32>
    %get3A_77 = arith.constant 0 : index
    %get3A_78 = arith.constant 0 : index
    %get3A_79 = vector.load %arg2[%get3A_77, %get3A_78] : memref<512x1024xf32, #tpu.memory_space<vmem>>, vector<512x1024xf32>
    %dot_general3A_80 = arith.constant dense<0.000000e+00> : vector<512x2048xf32>
    %dot_general3A_81 = tpu.matmul %get3A_79, %convert_element_type3A_65, %dot_general3A_80 {dimension_numbers = #tpu.dot_dimension_numbers<[1], [0], [0], [1], [0, 0, 1, 1], [], []>, transpose_lhs_hint = false} : vector<512x1024xf32>, vector<1024x2048xf32>, vector<512x2048xf32> -> vector<512x2048xf32>
    %mul3A_82 = arith.mulf %mul3A_51, %dot_general3A_76 : vector<512x2048xf32>
    %mul3A_83 = arith.mulf %mul3A_82, %dot_general3A_81 : vector<512x2048xf32>
    %mul3A_84 = vector.broadcast %exp3A_33 : vector<512x1xf32> to vector<512x2048xf32>
    %mul3A_85 = arith.mulf %mul3A_83, %mul3A_84 : vector<512x2048xf32>
    %sub3A_86 = arith.subf %convert_element_type3A_72, %convert_element_type3A_58 : vector<1024x2048xf32>
    %sub3A_87 = arith.subf %sub3A_86, %convert_element_type3A_65 : vector<1024x2048xf32>
    %get3A_88 = arith.constant 0 : index
    %get3A_89 = arith.constant 0 : index
    %get3A_90 = vector.load %arg10[%get3A_88, %get3A_89] : memref<512x1024xf32, #tpu.memory_space<vmem>>, vector<512x1024xf32>
    %dot_general3A_91 = arith.constant dense<0.000000e+00> : vector<512x1024xf32>
    %dot_general3A_92 = tpu.matmul %mul3A_85, %sub3A_87, %dot_general3A_91 {dimension_numbers = #tpu.dot_dimension_numbers<[1], [1], [0], [0], [0, 0, 1, 0], [], []>, transpose_lhs_hint = false} : vector<512x2048xf32>, vector<1024x2048xf32>, vector<512x1024xf32> -> vector<512x1024xf32>
    %add3A_93 = arith.addf %get3A_90, %dot_general3A_92 : vector<512x1024xf32>
    %swap3A = arith.constant 0 : index
    %swap3A_94 = arith.constant 0 : index
    %swap3A_95 = vector.load %arg10[%swap3A, %swap3A_94] : memref<512x1024xf32, #tpu.memory_space<vmem>>, vector<512x1024xf32>
    tpu.vector_store %arg10[%swap3A, %swap3A_94], %add3A_93 {strides = array<i32>} : memref<512x1024xf32, #tpu.memory_space<vmem>>, vector<512x1024xf32>,
    return
  }
  func.func @transform_0(%arg0: i32) -> (i32, i32) {
    %c0_i32 = arith.constant 0 : i32
    %c0_i32_0 = arith.constant 0 : i32
    %c0_i32_1 = arith.constant 0 : i32
    return %c0_i32, %c0_i32_0 : i32, i32
  }
  func.func @transform_1(%arg0: i32) -> (i32, i32) {
    %c0_i32 = arith.constant 0 : i32
    %c0_i32_0 = arith.constant 0 : i32
    %c0_i32_1 = arith.constant 0 : i32
    return %c0_i32, %c0_i32_0 : i32, i32
  }
  func.func @transform_2(%arg0: i32) -> (i32, i32) {
    %c0_i32 = arith.constant 0 : i32
    %c0_i32_0 = arith.constant 0 : i32
    return %c0_i32, %arg0 : i32, i32
  }
  func.func @transform_3(%arg0: i32) -> (i32, i32) {
    %c0_i32 = arith.constant 0 : i32
    %c0_i32_0 = arith.constant 0 : i32
    return %c0_i32, %arg0 : i32, i32
  }
  func.func @transform_4(%arg0: i32) -> (i32, i32) {
    %c0_i32 = arith.constant 0 : i32
    %c0_i32_0 = arith.constant 0 : i32
    return %c0_i32, %arg0 : i32, i32
  }
  func.func @transform_5(%arg0: i32) -> (i32, i32) {
    %c0_i32 = arith.constant 0 : i32
    %c0_i32_0 = arith.constant 0 : i32
    return %c0_i32, %arg0 : i32, i32
  }
  func.func @transform_6(%arg0: i32) -> (i32, i32) {
    %c0_i32 = arith.constant 0 : i32
    %c0_i32_0 = arith.constant 0 : i32
    return %c0_i32, %arg0 : i32, i32
  }
  func.func @transform_7(%arg0: i32) -> (i32, i32) {
    %c0_i32 = arith.constant 0 : i32
    %c0_i32_0 = arith.constant 0 : i32
    return %c0_i32, %arg0 : i32, i32
  }
  func.func @transform_8(%arg0: i32) -> (i32, i32) {
    %c0_i32 = arith.constant 0 : i32
    %c0_i32_0 = arith.constant 0 : i32
    %c0_i32_1 = arith.constant 0 : i32
    return %c0_i32, %c0_i32_0 : i32, i32
  }
  func.func @transform_9(%arg0: i32) -> (i32, i32) {
    %c0_i32 = arith.constant 0 : i32
    %c0_i32_0 = arith.constant 0 : i32
    %c0_i32_1 = arith.constant 0 : i32
    return %c0_i32, %c0_i32_0 : i32, i32
  }
}

module attributes {stable_mosaic.version = 14 : i64} {
  func.func @_p1st_kernel(%arg0: i32, %arg1: memref<512x1xf32, #tpu.memory_space<vmem>>, %arg2: memref<512x1024xf32, #tpu.memory_space<vmem>>, %arg3: memref<1x2048xf32, #tpu.memory_space<vmem>>, %arg4: memref<1x2048xf32, #tpu.memory_space<vmem>>, %arg5: memref<1x2048xf32, #tpu.memory_space<vmem>>, %arg6: memref<1x2048xi32, #tpu.memory_space<vmem>>, %arg7: memref<1x2048xi32, #tpu.memory_space<vmem>>, %arg8: memref<1x256xi32, #tpu.memory_space<vmem>>, %arg9: memref<1x256xi32, #tpu.memory_space<vmem>>, %arg10: memref<1x4096xi32, #tpu.memory_space<vmem>>, %arg11: memref<4096x1xi32, #tpu.memory_space<vmem>>, %arg12: memref<512x1xf32, #tpu.memory_space<vmem>>, %arg13: memref<512x1xf32, #tpu.memory_space<vmem>>, %arg14: memref<1024x1xf32, #tpu.memory_space<vmem>>, %arg15: memref<256x128xf32, #tpu.memory_space<vmem>>, %arg16: memref<512x1024xf32, #tpu.memory_space<vmem>>) attributes {dimension_semantics = [#tpu.dimension_semantics<arbitrary>], iteration_bounds = array<i64: 4>, scalar_prefetch = 0 : i64, scratch_operands = 0 : i64, tpu.core_type = #tpu.core_type<tc>, window_params = [{pipeline_mode = #tpu.pipeline_mode<synchronous>, transform_indices = @transform_0, window_bounds = array<i64: 512, 1>}, {pipeline_mode = #tpu.pipeline_mode<synchronous>, transform_indices = @transform_1, window_bounds = array<i64: 512, 1024>}, {transform_indices = @transform_2, window_bounds = array<i64: 1, 2048>}, {transform_indices = @transform_3, window_bounds = array<i64: 1, 2048>}, {transform_indices = @transform_4, window_bounds = array<i64: 1, 2048>}, {transform_indices = @transform_5, window_bounds = array<i64: 1, 2048>}, {transform_indices = @transform_6, window_bounds = array<i64: 1, 2048>}, {pipeline_mode = #tpu.pipeline_mode<synchronous>, transform_indices = @transform_7, window_bounds = array<i64: 1, 256>}, {pipeline_mode = #tpu.pipeline_mode<synchronous>, transform_indices = @transform_8, window_bounds = array<i64: 1, 256>}, {pipeline_mode = #tpu.pipeline_mode<synchronous>, transform_indices = @transform_9, window_bounds = array<i64: 1, 4096>}, {pipeline_mode = #tpu.pipeline_mode<synchronous>, transform_indices = @transform_10, window_bounds = array<i64: 4096, 1>}, {pipeline_mode = #tpu.pipeline_mode<synchronous>, transform_indices = @transform_11, window_bounds = array<i64: 512, 1>}, {pipeline_mode = #tpu.pipeline_mode<synchronous>, transform_indices = @transform_12, window_bounds = array<i64: 512, 1>}, {pipeline_mode = #tpu.pipeline_mode<synchronous>, transform_indices = @transform_13, window_bounds = array<i64: 1024, 1>}, {pipeline_mode = #tpu.pipeline_mode<synchronous>, transform_indices = @transform_14, window_bounds = array<i64: 256, 128>}, {pipeline_mode = #tpu.pipeline_mode<synchronous>, transform_indices = @transform_15, window_bounds = array<i64: 512, 1024>}]} {
    %eq3A = arith.constant 0 : i32
    %eq3A_0 = arith.cmpi eq, %arg0, %eq3A : i32
    %convert_element_type3A = arith.extui %eq3A_0 : i1 to i32
    %cond3A = arith.constant 0 : i32
    %cond3A_1 = arith.cmpi ne, %convert_element_type3A, %cond3A : i32
    scf.if %cond3A_1 {
      %iota3A_70 = tpu.iota {dimensions = array<i32: 0>} : vector<1024x256xi32>
      %get3A_71 = arith.constant 0 : index
      %get3A_72 = arith.constant 0 : index
      %get3A_73 = vector.load %arg8[%get3A_71, %get3A_72] : memref<1x256xi32, #tpu.memory_space<vmem>>, vector<1x256xi32>
      %eq3A_74 = vector.broadcast %get3A_73 : vector<1x256xi32> to vector<1024x256xi32>
      %eq3A_75 = arith.cmpi eq, %iota3A_70, %eq3A_74 : vector<1024x256xi32>
      %convert_element_type3A_76 = arith.extui %eq3A_75 : vector<1024x256xi1> to vector<1024x256xi32>
      %convert_element_type3A_77 = arith.sitofp %convert_element_type3A_76 : vector<1024x256xi32> to vector<1024x256xf32>
      %reduce_sum3A = arith.constant dense<0.000000e+00> : vector<1024xf32>
      %reduce_sum3A_78 = vector.multi_reduction <add>, %convert_element_type3A_77, %reduce_sum3A [1] : vector<1024x256xf32> to vector<1024xf32>
      %broadcast_in_dim3A = vector.shape_cast %reduce_sum3A_78 : vector<1024xf32> to vector<1024x1xf32>
      %get3A_79 = arith.constant 0 : index
      %get3A_80 = arith.constant 0 : index
      %get3A_81 = vector.load %arg9[%get3A_79, %get3A_80] : memref<1x256xi32, #tpu.memory_space<vmem>>, vector<1x256xi32>
      %eq3A_82 = vector.broadcast %get3A_81 : vector<1x256xi32> to vector<1024x256xi32>
      %eq3A_83 = arith.cmpi eq, %iota3A_70, %eq3A_82 : vector<1024x256xi32>
      %convert_element_type3A_84 = arith.extui %eq3A_83 : vector<1024x256xi1> to vector<1024x256xi32>
      %convert_element_type3A_85 = arith.sitofp %convert_element_type3A_84 : vector<1024x256xi32> to vector<1024x256xf32>
      %reduce_sum3A_86 = arith.constant dense<0.000000e+00> : vector<1024xf32>
      %reduce_sum3A_87 = vector.multi_reduction <add>, %convert_element_type3A_85, %reduce_sum3A_86 [1] : vector<1024x256xf32> to vector<1024xf32>
      %broadcast_in_dim3A_88 = vector.shape_cast %reduce_sum3A_87 : vector<1024xf32> to vector<1024x1xf32>
      %swap3A_89 = arith.constant 0 : index
      %swap3A_90 = arith.constant 0 : index
      %swap3A_91 = vector.load %arg14[%swap3A_89, %swap3A_90] : memref<1024x1xf32, #tpu.memory_space<vmem>>, vector<1024x1xf32>
      tpu.vector_store %arg14[%swap3A_89, %swap3A_90], %broadcast_in_dim3A {strides = array<i32>} : memref<1024x1xf32, #tpu.memory_space<vmem>>, vector<1024x1xf32>,
      %get3A_92 = arith.constant 0 : index
      %get3A_93 = arith.constant 0 : index
      %get3A_94 = vector.load %arg2[%get3A_92, %get3A_93] : memref<512x1024xf32, #tpu.memory_space<vmem>>, vector<512x1024xf32>
      %dot_general3A_95 = arith.constant dense<0.000000e+00> : vector<512x1xf32>
      %dot_general3A_96 = tpu.matmul %get3A_94, %broadcast_in_dim3A, %dot_general3A_95 {dimension_numbers = #tpu.dot_dimension_numbers<[1], [0], [0], [1], [0, 0, 1, 1], [], []>, transpose_lhs_hint = false} : vector<512x1024xf32>, vector<1024x1xf32>, vector<512x1xf32> -> vector<512x1xf32>
      %swap3A_97 = arith.constant 0 : index
      %swap3A_98 = arith.constant 0 : index
      %swap3A_99 = vector.load %arg12[%swap3A_97, %swap3A_98] : memref<512x1xf32, #tpu.memory_space<vmem>>, vector<512x1xf32>
      tpu.vector_store %arg12[%swap3A_97, %swap3A_98], %dot_general3A_96 {strides = array<i32>} : memref<512x1xf32, #tpu.memory_space<vmem>>, vector<512x1xf32>,
      %get3A_100 = arith.constant 0 : index
      %get3A_101 = arith.constant 0 : index
      %get3A_102 = vector.load %arg2[%get3A_100, %get3A_101] : memref<512x1024xf32, #tpu.memory_space<vmem>>, vector<512x1024xf32>
      %dot_general3A_103 = arith.constant dense<0.000000e+00> : vector<512x1xf32>
      %dot_general3A_104 = tpu.matmul %get3A_102, %broadcast_in_dim3A_88, %dot_general3A_103 {dimension_numbers = #tpu.dot_dimension_numbers<[1], [0], [0], [1], [0, 0, 1, 1], [], []>, transpose_lhs_hint = false} : vector<512x1024xf32>, vector<1024x1xf32>, vector<512x1xf32> -> vector<512x1xf32>
      %swap3A_105 = arith.constant 0 : index
      %swap3A_106 = arith.constant 0 : index
      %swap3A_107 = vector.load %arg13[%swap3A_105, %swap3A_106] : memref<512x1xf32, #tpu.memory_space<vmem>>, vector<512x1xf32>
      tpu.vector_store %arg13[%swap3A_105, %swap3A_106], %dot_general3A_104 {strides = array<i32>} : memref<512x1xf32, #tpu.memory_space<vmem>>, vector<512x1xf32>,
      %get3A_108 = arith.constant 0 : index
      %get3A_109 = arith.constant 0 : index
      %get3A_110 = vector.load %arg10[%get3A_108, %get3A_109] : memref<1x4096xi32, #tpu.memory_space<vmem>>, vector<1x4096xi32>
      %jit3A = arith.constant 128 : i32
      %div3A_111 = vector.broadcast %jit3A : i32 to vector<1x4096xi32>
      %div3A_112 = arith.divsi %get3A_110, %div3A_111 : vector<1x4096xi32>
      %sign3A = arith.constant 0 : i32
      %sign3A_113 = vector.broadcast %sign3A : i32 to vector<1x4096xi32>
      %sign3A_114 = arith.cmpi sgt, %get3A_110, %sign3A_113 : vector<1x4096xi32>
      %sign3A_115 = arith.extui %sign3A_114 : vector<1x4096xi1> to vector<1x4096xi32>
      %sign3A_116 = arith.constant 0 : i32
      %sign3A_117 = vector.broadcast %sign3A_116 : i32 to vector<1x4096xi32>
      %sign3A_118 = arith.cmpi slt, %get3A_110, %sign3A_117 : vector<1x4096xi32>
      %sign3A_119 = arith.extui %sign3A_118 : vector<1x4096xi1> to vector<1x4096xi32>
      %sign3A_120 = arith.subi %sign3A_115, %sign3A_119 : vector<1x4096xi32>
      %sign3A_121 = arith.constant 0 : i32
      %sign3A_122 = arith.cmpi sgt, %jit3A, %sign3A_121 : i32
      %sign3A_123 = arith.extui %sign3A_122 : i1 to i32
      %sign3A_124 = arith.constant 0 : i32
      %sign3A_125 = arith.cmpi slt, %jit3A, %sign3A_124 : i32
      %sign3A_126 = arith.extui %sign3A_125 : i1 to i32
      %sign3A_127 = arith.subi %sign3A_123, %sign3A_126 : i32
      %ne3A = vector.broadcast %sign3A_127 : i32 to vector<1x4096xi32>
      %ne3A_128 = arith.cmpi ne, %sign3A_120, %ne3A : vector<1x4096xi32>
      %rem3A = vector.broadcast %jit3A : i32 to vector<1x4096xi32>
      %rem3A_129 = arith.remsi %get3A_110, %rem3A : vector<1x4096xi32>
      %ne3A_130 = arith.constant 0 : i32
      %ne3A_131 = vector.broadcast %ne3A_130 : i32 to vector<1x4096xi32>
      %ne3A_132 = arith.cmpi ne, %rem3A_129, %ne3A_131 : vector<1x4096xi32>
      %and3A = arith.andi %ne3A_128, %ne3A_132 : vector<1x4096xi1>
      %sub3A_133 = arith.constant 1 : i32
      %sub3A_134 = vector.broadcast %sub3A_133 : i32 to vector<1x4096xi32>
      %sub3A_135 = arith.subi %div3A_112, %sub3A_134 : vector<1x4096xi32>
      %select_n3A = arith.select %and3A, %sub3A_135, %div3A_112 : vector<1x4096xi1>, vector<1x4096xi32>
      %get3A_136 = arith.constant 0 : index
      %get3A_137 = arith.constant 0 : index
      %get3A_138 = vector.load %arg11[%get3A_136, %get3A_137] : memref<4096x1xi32, #tpu.memory_space<vmem>>, vector<4096x1xi32>
      %jit3A_139 = arith.constant 128 : i32
      %eq3A_140 = arith.constant 0 : i32
      %eq3A_141 = arith.cmpi eq, %jit3A_139, %eq3A_140 : i32
      %jit3A_142 = arith.constant 1 : i32
      %select_n3A_143 = arith.select %eq3A_141, %jit3A_142, %jit3A_139 : i32
      %rem3A_144 = vector.broadcast %select_n3A_143 : i32 to vector<4096x1xi32>
      %rem3A_145 = arith.remsi %get3A_138, %rem3A_144 : vector<4096x1xi32>
      %ne3A_146 = arith.constant 0 : i32
      %ne3A_147 = vector.broadcast %ne3A_146 : i32 to vector<4096x1xi32>
      %ne3A_148 = arith.cmpi ne, %rem3A_145, %ne3A_147 : vector<4096x1xi32>
      %lt3A = arith.constant 0 : i32
      %lt3A_149 = vector.broadcast %lt3A : i32 to vector<4096x1xi32>
      %lt3A_150 = arith.cmpi slt, %rem3A_145, %lt3A_149 : vector<4096x1xi32>
      %lt3A_151 = arith.constant 0 : i32
      %lt3A_152 = arith.cmpi slt, %select_n3A_143, %lt3A_151 : i32
      %ne3A_153 = vector.broadcast %lt3A_152 : i1 to vector<4096x1xi1>
      %ne3A_154 = vector.broadcast %ne3A_153 : vector<4096x1xi1> to vector<4096x1xi1>
      %ne3A_155 = arith.xori %lt3A_150, %ne3A_154 : vector<4096x1xi1>
      %and3A_156 = arith.andi %ne3A_155, %ne3A_148 : vector<4096x1xi1>
      %add3A_157 = vector.broadcast %select_n3A_143 : i32 to vector<4096x1xi32>
      %add3A_158 = arith.addi %rem3A_145, %add3A_157 : vector<4096x1xi32>
      %select_n3A_159 = arith.select %and3A_156, %add3A_158, %rem3A_145 : vector<4096x1xi1>, vector<4096x1xi32>
      %iota3A_160 = tpu.iota {dimensions = array<i32: 0>} : vector<256x4096xi32>
      %eq3A_161 = vector.broadcast %select_n3A : vector<1x4096xi32> to vector<256x4096xi32>
      %eq3A_162 = arith.cmpi eq, %iota3A_160, %eq3A_161 : vector<256x4096xi32>
      %convert_element_type3A_163 = arith.extui %eq3A_162 : vector<256x4096xi1> to vector<256x4096xi32>
      %convert_element_type3A_164 = arith.sitofp %convert_element_type3A_163 : vector<256x4096xi32> to vector<256x4096xf32>
      %iota3A_165 = tpu.iota {dimensions = array<i32: 1>} : vector<4096x128xi32>
      %eq3A_166 = vector.broadcast %select_n3A_159 : vector<4096x1xi32> to vector<4096x128xi32>
      %eq3A_167 = arith.cmpi eq, %iota3A_165, %eq3A_166 : vector<4096x128xi32>
      %convert_element_type3A_168 = arith.extui %eq3A_167 : vector<4096x128xi1> to vector<4096x128xi32>
      %convert_element_type3A_169 = arith.sitofp %convert_element_type3A_168 : vector<4096x128xi32> to vector<4096x128xf32>
      %dot_general3A_170 = arith.constant dense<0.000000e+00> : vector<256x128xf32>
      %dot_general3A_171 = tpu.matmul %convert_element_type3A_164, %convert_element_type3A_169, %dot_general3A_170 {dimension_numbers = #tpu.dot_dimension_numbers<[1], [0], [0], [1], [0, 0, 1, 1], [], []>, transpose_lhs_hint = false} : vector<256x4096xf32>, vector<4096x128xf32>, vector<256x128xf32> -> vector<256x128xf32>
      %swap3A_172 = arith.constant 0 : index
      %swap3A_173 = arith.constant 0 : index
      %swap3A_174 = vector.load %arg15[%swap3A_172, %swap3A_173] : memref<256x128xf32, #tpu.memory_space<vmem>>, vector<256x128xf32>
      tpu.vector_store %arg15[%swap3A_172, %swap3A_173], %dot_general3A_171 {strides = array<i32>} : memref<256x128xf32, #tpu.memory_space<vmem>>, vector<256x128xf32>,
      %broadcast_in_dim3A_175 = arith.constant 0.000000e+00 : f32
      %broadcast_in_dim3A_176 = vector.broadcast %broadcast_in_dim3A_175 : f32 to vector<512x1024xf32>
      %swap3A_177 = arith.constant 0 : index
      %swap3A_178 = arith.constant 0 : index
      %swap3A_179 = vector.load %arg16[%swap3A_177, %swap3A_178] : memref<512x1024xf32, #tpu.memory_space<vmem>>, vector<512x1024xf32>
      tpu.vector_store %arg16[%swap3A_177, %swap3A_178], %broadcast_in_dim3A_176 {strides = array<i32>} : memref<512x1024xf32, #tpu.memory_space<vmem>>, vector<512x1024xf32>,
    } else {
    }
    %get3A = arith.constant 0 : index
    %get3A_2 = arith.constant 0 : index
    %get3A_3 = vector.load %arg1[%get3A, %get3A_2] : memref<512x1xf32, #tpu.memory_space<vmem>>, vector<512x1xf32>
    %mul3A = arith.constant 1.000000e-03 : f32
    %mul3A_4 = vector.broadcast %mul3A : f32 to vector<512x1xf32>
    %mul3A_5 = arith.mulf %mul3A_4, %get3A_3 : vector<512x1xf32>
    %neg3A = arith.constant 0.000000e+00 : f32
    %neg3A_6 = vector.broadcast %neg3A : f32 to vector<512x1xf32>
    %neg3A_7 = arith.subf %neg3A_6, %mul3A_5 : vector<512x1xf32>
    %exp3A = math.exp %neg3A_7 : vector<512x1xf32>
    %add3A = arith.constant 1.000000e+00 : f32
    %add3A_8 = vector.broadcast %add3A : f32 to vector<512x1xf32>
    %add3A_9 = arith.addf %add3A_8, %exp3A : vector<512x1xf32>
    %div3A = arith.constant 1.000000e+00 : f32
    %div3A_10 = vector.broadcast %div3A : f32 to vector<512x1xf32>
    %div3A_11 = arith.divf %div3A_10, %add3A_9 : vector<512x1xf32>
    %mul3A_12 = arith.constant 2.900000e+02 : f32
    %mul3A_13 = vector.broadcast %mul3A_12 : f32 to vector<512x1xf32>
    %mul3A_14 = arith.mulf %mul3A_13, %div3A_11 : vector<512x1xf32>
    %add3A_15 = arith.constant 1.000000e+01 : f32
    %add3A_16 = vector.broadcast %add3A_15 : f32 to vector<512x1xf32>
    %add3A_17 = arith.addf %add3A_16, %mul3A_14 : vector<512x1xf32>
    %div3A_18 = arith.constant 3.000000e+02 : f32
    %div3A_19 = vector.broadcast %div3A_18 : f32 to vector<512x1xf32>
    %div3A_20 = arith.divf %add3A_17, %div3A_19 : vector<512x1xf32>
    %log3A = math.log %div3A_20 : vector<512x1xf32>
    %div3A_21 = arith.constant 1.000000e+00 : f32
    %div3A_22 = vector.broadcast %div3A_21 : f32 to vector<512x1xf32>
    %div3A_23 = arith.divf %div3A_22, %add3A_17 : vector<512x1xf32>
    %get3A_24 = arith.constant 0 : index
    %get3A_25 = arith.constant 0 : index
    %get3A_26 = vector.load %arg3[%get3A_24, %get3A_25] : memref<1x2048xf32, #tpu.memory_space<vmem>>, vector<1x2048xf32>
    %get3A_27 = arith.constant 0 : index
    %get3A_28 = arith.constant 0 : index
    %get3A_29 = vector.load %arg4[%get3A_27, %get3A_28] : memref<1x2048xf32, #tpu.memory_space<vmem>>, vector<1x2048xf32>
    %mul3A_30 = vector.broadcast %get3A_29 : vector<1x2048xf32> to vector<512x2048xf32>
    %mul3A_31 = vector.broadcast %log3A : vector<512x1xf32> to vector<512x2048xf32>
    %mul3A_32 = arith.mulf %mul3A_30, %mul3A_31 : vector<512x2048xf32>
    %get3A_33 = arith.constant 0 : index
    %get3A_34 = arith.constant 0 : index
    %get3A_35 = vector.load %arg5[%get3A_33, %get3A_34] : memref<1x2048xf32, #tpu.memory_space<vmem>>, vector<1x2048xf32>
    %mul3A_36 = vector.broadcast %get3A_35 : vector<1x2048xf32> to vector<512x2048xf32>
    %mul3A_37 = vector.broadcast %div3A_23 : vector<512x1xf32> to vector<512x2048xf32>
    %mul3A_38 = arith.mulf %mul3A_36, %mul3A_37 : vector<512x2048xf32>
    %sub3A = arith.subf %mul3A_32, %mul3A_38 : vector<512x2048xf32>
    %exp3A_39 = math.exp %sub3A : vector<512x2048xf32>
    %mul3A_40 = vector.broadcast %get3A_26 : vector<1x2048xf32> to vector<512x2048xf32>
    %mul3A_41 = arith.mulf %mul3A_40, %exp3A_39 : vector<512x2048xf32>
    %iota3A = tpu.iota {dimensions = array<i32: 0>} : vector<1024x2048xi32>
    %get3A_42 = arith.constant 0 : index
    %get3A_43 = arith.constant 0 : index
    %get3A_44 = vector.load %arg6[%get3A_42, %get3A_43] : memref<1x2048xi32, #tpu.memory_space<vmem>>, vector<1x2048xi32>
    %eq3A_45 = vector.broadcast %get3A_44 : vector<1x2048xi32> to vector<1024x2048xi32>
    %eq3A_46 = arith.cmpi eq, %iota3A, %eq3A_45 : vector<1024x2048xi32>
    %convert_element_type3A_47 = arith.extui %eq3A_46 : vector<1024x2048xi1> to vector<1024x2048xi32>
    %convert_element_type3A_48 = arith.sitofp %convert_element_type3A_47 : vector<1024x2048xi32> to vector<1024x2048xf32>
    %get3A_49 = arith.constant 0 : index
    %get3A_50 = arith.constant 0 : index
    %get3A_51 = vector.load %arg7[%get3A_49, %get3A_50] : memref<1x2048xi32, #tpu.memory_space<vmem>>, vector<1x2048xi32>
    %eq3A_52 = vector.broadcast %get3A_51 : vector<1x2048xi32> to vector<1024x2048xi32>
    %eq3A_53 = arith.cmpi eq, %iota3A, %eq3A_52 : vector<1024x2048xi32>
    %convert_element_type3A_54 = arith.extui %eq3A_53 : vector<1024x2048xi1> to vector<1024x2048xi32>
    %convert_element_type3A_55 = arith.sitofp %convert_element_type3A_54 : vector<1024x2048xi32> to vector<1024x2048xf32>
    %get3A_56 = arith.constant 0 : index
    %get3A_57 = arith.constant 0 : index
    %get3A_58 = vector.load %arg2[%get3A_56, %get3A_57] : memref<512x1024xf32, #tpu.memory_space<vmem>>, vector<512x1024xf32>
    %dot_general3A = arith.constant dense<0.000000e+00> : vector<512x2048xf32>
    %dot_general3A_59 = tpu.matmul %get3A_58, %convert_element_type3A_48, %dot_general3A {dimension_numbers = #tpu.dot_dimension_numbers<[1], [0], [0], [1], [0, 0, 1, 1], [], []>, transpose_lhs_hint = false} : vector<512x1024xf32>, vector<1024x2048xf32>, vector<512x2048xf32> -> vector<512x2048xf32>
    %mul3A_60 = arith.mulf %mul3A_41, %dot_general3A_59 : vector<512x2048xf32>
    %sub3A_61 = arith.subf %convert_element_type3A_55, %convert_element_type3A_48 : vector<1024x2048xf32>
    %get3A_62 = arith.constant 0 : index
    %get3A_63 = arith.constant 0 : index
    %get3A_64 = vector.load %arg16[%get3A_62, %get3A_63] : memref<512x1024xf32, #tpu.memory_space<vmem>>, vector<512x1024xf32>
    %dot_general3A_65 = arith.constant dense<0.000000e+00> : vector<512x1024xf32>
    %dot_general3A_66 = tpu.matmul %mul3A_60, %sub3A_61, %dot_general3A_65 {dimension_numbers = #tpu.dot_dimension_numbers<[1], [1], [0], [0], [0, 0, 1, 0], [], []>, transpose_lhs_hint = false} : vector<512x2048xf32>, vector<1024x2048xf32>, vector<512x1024xf32> -> vector<512x1024xf32>
    %add3A_67 = arith.addf %get3A_64, %dot_general3A_66 : vector<512x1024xf32>
    %swap3A = arith.constant 0 : index
    %swap3A_68 = arith.constant 0 : index
    %swap3A_69 = vector.load %arg16[%swap3A, %swap3A_68] : memref<512x1024xf32, #tpu.memory_space<vmem>>, vector<512x1024xf32>
    tpu.vector_store %arg16[%swap3A, %swap3A_68], %add3A_67 {strides = array<i32>} : memref<512x1024xf32, #tpu.memory_space<vmem>>, vector<512x1024xf32>,
    return
  }
  func.func @transform_0(%arg0: i32) -> (i32, i32) {
    %c0_i32 = arith.constant 0 : i32
    %c0_i32_0 = arith.constant 0 : i32
    %c0_i32_1 = arith.constant 0 : i32
    return %c0_i32, %c0_i32_0 : i32, i32
  }
  func.func @transform_1(%arg0: i32) -> (i32, i32) {
    %c0_i32 = arith.constant 0 : i32
    %c0_i32_0 = arith.constant 0 : i32
    %c0_i32_1 = arith.constant 0 : i32
    return %c0_i32, %c0_i32_0 : i32, i32
  }
  func.func @transform_2(%arg0: i32) -> (i32, i32) {
    %c0_i32 = arith.constant 0 : i32
    %c0_i32_0 = arith.constant 0 : i32
    return %c0_i32, %arg0 : i32, i32
  }
  func.func @transform_3(%arg0: i32) -> (i32, i32) {
    %c0_i32 = arith.constant 0 : i32
    %c0_i32_0 = arith.constant 0 : i32
    return %c0_i32, %arg0 : i32, i32
  }
  func.func @transform_4(%arg0: i32) -> (i32, i32) {
    %c0_i32 = arith.constant 0 : i32
    %c0_i32_0 = arith.constant 0 : i32
    return %c0_i32, %arg0 : i32, i32
  }
  func.func @transform_5(%arg0: i32) -> (i32, i32) {
    %c0_i32 = arith.constant 0 : i32
    %c0_i32_0 = arith.constant 0 : i32
    return %c0_i32, %arg0 : i32, i32
  }
  func.func @transform_6(%arg0: i32) -> (i32, i32) {
    %c0_i32 = arith.constant 0 : i32
    %c0_i32_0 = arith.constant 0 : i32
    return %c0_i32, %arg0 : i32, i32
  }
  func.func @transform_7(%arg0: i32) -> (i32, i32) {
    %c0_i32 = arith.constant 0 : i32
    %c0_i32_0 = arith.constant 0 : i32
    %c0_i32_1 = arith.constant 0 : i32
    return %c0_i32, %c0_i32_0 : i32, i32
  }
  func.func @transform_8(%arg0: i32) -> (i32, i32) {
    %c0_i32 = arith.constant 0 : i32
    %c0_i32_0 = arith.constant 0 : i32
    %c0_i32_1 = arith.constant 0 : i32
    return %c0_i32, %c0_i32_0 : i32, i32
  }
  func.func @transform_9(%arg0: i32) -> (i32, i32) {
    %c0_i32 = arith.constant 0 : i32
    %c0_i32_0 = arith.constant 0 : i32
    %c0_i32_1 = arith.constant 0 : i32
    return %c0_i32, %c0_i32_0 : i32, i32
  }
  func.func @transform_10(%arg0: i32) -> (i32, i32) {
    %c0_i32 = arith.constant 0 : i32
    %c0_i32_0 = arith.constant 0 : i32
    %c0_i32_1 = arith.constant 0 : i32
    return %c0_i32, %c0_i32_0 : i32, i32
  }
  func.func @transform_11(%arg0: i32) -> (i32, i32) {
    %c0_i32 = arith.constant 0 : i32
    %c0_i32_0 = arith.constant 0 : i32
    %c0_i32_1 = arith.constant 0 : i32
    return %c0_i32, %c0_i32_0 : i32, i32
  }
  func.func @transform_12(%arg0: i32) -> (i32, i32) {
    %c0_i32 = arith.constant 0 : i32
    %c0_i32_0 = arith.constant 0 : i32
    %c0_i32_1 = arith.constant 0 : i32
    return %c0_i32, %c0_i32_0 : i32, i32
  }
  func.func @transform_13(%arg0: i32) -> (i32, i32) {
    %c0_i32 = arith.constant 0 : i32
    %c0_i32_0 = arith.constant 0 : i32
    %c0_i32_1 = arith.constant 0 : i32
    return %c0_i32, %c0_i32_0 : i32, i32
  }
  func.func @transform_14(%arg0: i32) -> (i32, i32) {
    %c0_i32 = arith.constant 0 : i32
    %c0_i32_0 = arith.constant 0 : i32
    %c0_i32_1 = arith.constant 0 : i32
    return %c0_i32, %c0_i32_0 : i32, i32
  }
  func.func @transform_15(%arg0: i32) -> (i32, i32) {
    %c0_i32 = arith.constant 0 : i32
    %c0_i32_0 = arith.constant 0 : i32
    %c0_i32_1 = arith.constant 0 : i32
    return %c0_i32, %c0_i32_0 : i32, i32
  }
}

module attributes {stable_mosaic.version = 14 : i64} {
  func.func @_corr_kernel(%arg0: i32, %arg1: memref<512x1xf32, #tpu.memory_space<vmem>>, %arg2: memref<512x1024xf32, #tpu.memory_space<vmem>>, %arg3: memref<1x2048xf32, #tpu.memory_space<vmem>>, %arg4: memref<1x2048xf32, #tpu.memory_space<vmem>>, %arg5: memref<1x2048xf32, #tpu.memory_space<vmem>>, %arg6: memref<1x2048xf32, #tpu.memory_space<vmem>>, %arg7: memref<1x2048xi32, #tpu.memory_space<vmem>>, %arg8: memref<1x2048xi32, #tpu.memory_space<vmem>>, %arg9: memref<1x2048xi32, #tpu.memory_space<vmem>>, %arg10: memref<1x2048xi32, #tpu.memory_space<vmem>>, %arg11: memref<1024x1xf32, #tpu.memory_space<vmem>>, %arg12: memref<512x1xf32, #tpu.memory_space<vmem>>, %arg13: memref<512x1xf32, #tpu.memory_space<vmem>>, %arg14: memref<512x1024xf32, #tpu.memory_space<vmem>>, %arg15: memref<512x1024xf32, #tpu.memory_space<vmem>>) attributes {dimension_semantics = [#tpu.dimension_semantics<arbitrary>], iteration_bounds = array<i64: 2>, scalar_prefetch = 0 : i64, scratch_operands = 0 : i64, tpu.core_type = #tpu.core_type<tc>, window_params = [{pipeline_mode = #tpu.pipeline_mode<synchronous>, transform_indices = @transform_0, window_bounds = array<i64: 512, 1>}, {pipeline_mode = #tpu.pipeline_mode<synchronous>, transform_indices = @transform_1, window_bounds = array<i64: 512, 1024>}, {transform_indices = @transform_2, window_bounds = array<i64: 1, 2048>}, {transform_indices = @transform_3, window_bounds = array<i64: 1, 2048>}, {transform_indices = @transform_4, window_bounds = array<i64: 1, 2048>}, {transform_indices = @transform_5, window_bounds = array<i64: 1, 2048>}, {transform_indices = @transform_6, window_bounds = array<i64: 1, 2048>}, {transform_indices = @transform_7, window_bounds = array<i64: 1, 2048>}, {transform_indices = @transform_8, window_bounds = array<i64: 1, 2048>}, {transform_indices = @transform_9, window_bounds = array<i64: 1, 2048>}, {pipeline_mode = #tpu.pipeline_mode<synchronous>, transform_indices = @transform_10, window_bounds = array<i64: 1024, 1>}, {pipeline_mode = #tpu.pipeline_mode<synchronous>, transform_indices = @transform_11, window_bounds = array<i64: 512, 1>}, {pipeline_mode = #tpu.pipeline_mode<synchronous>, transform_indices = @transform_12, window_bounds = array<i64: 512, 1>}, {pipeline_mode = #tpu.pipeline_mode<synchronous>, transform_indices = @transform_13, window_bounds = array<i64: 512, 1024>}, {pipeline_mode = #tpu.pipeline_mode<synchronous>, transform_indices = @transform_14, window_bounds = array<i64: 512, 1024>}]} {
    %eq3A = arith.constant 0 : i32
    %eq3A_0 = arith.cmpi eq, %arg0, %eq3A : i32
    %convert_element_type3A = arith.extui %eq3A_0 : i1 to i32
    %cond3A = arith.constant 0 : i32
    %cond3A_1 = arith.cmpi ne, %convert_element_type3A, %cond3A : i32
    scf.if %cond3A_1 {
      %get3A_164 = arith.constant 0 : index
      %get3A_165 = arith.constant 0 : index
      %get3A_166 = vector.load %arg14[%get3A_164, %get3A_165] : memref<512x1024xf32, #tpu.memory_space<vmem>>, vector<512x1024xf32>
      %swap3A_167 = arith.constant 0 : index
      %swap3A_168 = arith.constant 0 : index
      %swap3A_169 = vector.load %arg15[%swap3A_167, %swap3A_168] : memref<512x1024xf32, #tpu.memory_space<vmem>>, vector<512x1024xf32>
      tpu.vector_store %arg15[%swap3A_167, %swap3A_168], %get3A_166 {strides = array<i32>} : memref<512x1024xf32, #tpu.memory_space<vmem>>, vector<512x1024xf32>,
    } else {
    }
    %get3A = arith.constant 0 : index
    %get3A_2 = arith.constant 0 : index
    %get3A_3 = vector.load %arg1[%get3A, %get3A_2] : memref<512x1xf32, #tpu.memory_space<vmem>>, vector<512x1xf32>
    %get3A_4 = arith.constant 0 : index
    %get3A_5 = arith.constant 0 : index
    %get3A_6 = vector.load %arg12[%get3A_4, %get3A_5] : memref<512x1xf32, #tpu.memory_space<vmem>>, vector<512x1xf32>
    %get3A_7 = arith.constant 0 : index
    %get3A_8 = arith.constant 0 : index
    %get3A_9 = vector.load %arg13[%get3A_7, %get3A_8] : memref<512x1xf32, #tpu.memory_space<vmem>>, vector<512x1xf32>
    %add3A = arith.addf %get3A_6, %get3A_9 : vector<512x1xf32>
    %mul3A = arith.constant 9.99999997E-7 : f32
    %mul3A_10 = vector.broadcast %mul3A : f32 to vector<512x1xf32>
    %mul3A_11 = arith.mulf %mul3A_10, %add3A : vector<512x1xf32>
    %add3A_12 = arith.constant 1.000000e-30 : f32
    %add3A_13 = vector.broadcast %add3A_12 : f32 to vector<512x1xf32>
    %add3A_14 = arith.addf %mul3A_11, %add3A_13 : vector<512x1xf32>
    %div3A = arith.constant 2.000000e+00 : f32
    %div3A_15 = vector.broadcast %div3A : f32 to vector<512x1xf32>
    %div3A_16 = arith.divf %div3A_15, %add3A_14 : vector<512x1xf32>
    %min3A = arith.constant 1.000000e+00 : f32
    %min3A_17 = vector.broadcast %min3A : f32 to vector<512x1xf32>
    %min3A_18 = arith.minimumf %div3A_16, %min3A_17 : vector<512x1xf32>
    %get3A_19 = arith.constant 0 : index
    %get3A_20 = arith.constant 0 : index
    %get3A_21 = vector.load %arg14[%get3A_19, %get3A_20] : memref<512x1024xf32, #tpu.memory_space<vmem>>, vector<512x1024xf32>
    %get3A_22 = arith.constant 0 : index
    %get3A_23 = arith.constant 0 : index
    %get3A_24 = vector.load %arg11[%get3A_22, %get3A_23] : memref<1024x1xf32, #tpu.memory_space<vmem>>, vector<1024x1xf32>
    %dot_general3A = arith.constant dense<0.000000e+00> : vector<512x1xf32>
    %dot_general3A_25 = tpu.matmul %get3A_21, %get3A_24, %dot_general3A {dimension_numbers = #tpu.dot_dimension_numbers<[1], [0], [0], [1], [0, 0, 1, 1], [], []>, transpose_lhs_hint = false} : vector<512x1024xf32>, vector<1024x1xf32>, vector<512x1xf32> -> vector<512x1xf32>
    %neg3A = arith.constant 0.000000e+00 : f32
    %neg3A_26 = vector.broadcast %neg3A : f32 to vector<512x1xf32>
    %neg3A_27 = arith.subf %neg3A_26, %dot_general3A_25 : vector<512x1xf32>
    %exp3A = math.exp %neg3A_27 : vector<512x1xf32>
    %add3A_28 = arith.constant 1.000000e+00 : f32
    %add3A_29 = vector.broadcast %add3A_28 : f32 to vector<512x1xf32>
    %add3A_30 = arith.addf %add3A_29, %exp3A : vector<512x1xf32>
    %div3A_31 = arith.constant 1.000000e+00 : f32
    %div3A_32 = vector.broadcast %div3A_31 : f32 to vector<512x1xf32>
    %div3A_33 = arith.divf %div3A_32, %add3A_30 : vector<512x1xf32>
    %mul3A_34 = arith.mulf %min3A_18, %div3A_33 : vector<512x1xf32>
    %log3A = math.log %mul3A_34 : vector<512x1xf32>
    %mul3A_35 = arith.constant 1.000000e-03 : f32
    %mul3A_36 = vector.broadcast %mul3A_35 : f32 to vector<512x1xf32>
    %mul3A_37 = arith.mulf %mul3A_36, %get3A_3 : vector<512x1xf32>
    %neg3A_38 = arith.constant 0.000000e+00 : f32
    %neg3A_39 = vector.broadcast %neg3A_38 : f32 to vector<512x1xf32>
    %neg3A_40 = arith.subf %neg3A_39, %mul3A_37 : vector<512x1xf32>
    %exp3A_41 = math.exp %neg3A_40 : vector<512x1xf32>
    %add3A_42 = arith.constant 1.000000e+00 : f32
    %add3A_43 = vector.broadcast %add3A_42 : f32 to vector<512x1xf32>
    %add3A_44 = arith.addf %add3A_43, %exp3A_41 : vector<512x1xf32>
    %div3A_45 = arith.constant 1.000000e+00 : f32
    %div3A_46 = vector.broadcast %div3A_45 : f32 to vector<512x1xf32>
    %div3A_47 = arith.divf %div3A_46, %add3A_44 : vector<512x1xf32>
    %mul3A_48 = arith.constant 2.900000e+02 : f32
    %mul3A_49 = vector.broadcast %mul3A_48 : f32 to vector<512x1xf32>
    %mul3A_50 = arith.mulf %mul3A_49, %div3A_47 : vector<512x1xf32>
    %add3A_51 = arith.constant 1.000000e+01 : f32
    %add3A_52 = vector.broadcast %add3A_51 : f32 to vector<512x1xf32>
    %add3A_53 = arith.addf %add3A_52, %mul3A_50 : vector<512x1xf32>
    %div3A_54 = arith.constant 3.000000e+02 : f32
    %div3A_55 = vector.broadcast %div3A_54 : f32 to vector<512x1xf32>
    %div3A_56 = arith.divf %add3A_53, %div3A_55 : vector<512x1xf32>
    %log3A_57 = math.log %div3A_56 : vector<512x1xf32>
    %div3A_58 = arith.constant 1.000000e+00 : f32
    %div3A_59 = vector.broadcast %div3A_58 : f32 to vector<512x1xf32>
    %div3A_60 = arith.divf %div3A_59, %add3A_53 : vector<512x1xf32>
    %mul3A_61 = arith.constant 5.000000e-04 : f32
    %mul3A_62 = vector.broadcast %mul3A_61 : f32 to vector<512x1xf32>
    %mul3A_63 = arith.mulf %mul3A_62, %get3A_3 : vector<512x1xf32>
    %tanh3A = math.tanh %mul3A_63 : vector<512x1xf32>
    %mul3A_64 = arith.constant 2.000000e+00 : f32
    %mul3A_65 = vector.broadcast %mul3A_64 : f32 to vector<512x1xf32>
    %mul3A_66 = arith.mulf %mul3A_65, %tanh3A : vector<512x1xf32>
    %add3A_67 = arith.constant 4.000000e+00 : f32
    %add3A_68 = vector.broadcast %add3A_67 : f32 to vector<512x1xf32>
    %add3A_69 = arith.addf %add3A_68, %mul3A_66 : vector<512x1xf32>
    %get3A_70 = arith.constant 0 : index
    %get3A_71 = arith.constant 0 : index
    %get3A_72 = vector.load %arg10[%get3A_70, %get3A_71] : memref<1x2048xi32, #tpu.memory_space<vmem>>, vector<1x2048xi32>
    %ge3A = arith.constant 8192 : i32
    %ge3A_73 = vector.broadcast %ge3A : i32 to vector<1x2048xi32>
    %ge3A_74 = arith.cmpi sge, %get3A_72, %ge3A_73 : vector<1x2048xi32>
    %convert_element_type3A_75 = arith.extui %ge3A_74 : vector<1x2048xi1> to vector<1x2048xi32>
    %convert_element_type3A_76 = arith.sitofp %convert_element_type3A_75 : vector<1x2048xi32> to vector<1x2048xf32>
    %get3A_77 = arith.constant 0 : index
    %get3A_78 = arith.constant 0 : index
    %get3A_79 = vector.load %arg3[%get3A_77, %get3A_78] : memref<1x2048xf32, #tpu.memory_space<vmem>>, vector<1x2048xf32>
    %get3A_80 = arith.constant 0 : index
    %get3A_81 = arith.constant 0 : index
    %get3A_82 = vector.load %arg4[%get3A_80, %get3A_81] : memref<1x2048xf32, #tpu.memory_space<vmem>>, vector<1x2048xf32>
    %mul3A_83 = vector.broadcast %get3A_82 : vector<1x2048xf32> to vector<512x2048xf32>
    %mul3A_84 = vector.broadcast %log3A_57 : vector<512x1xf32> to vector<512x2048xf32>
    %mul3A_85 = arith.mulf %mul3A_83, %mul3A_84 : vector<512x2048xf32>
    %get3A_86 = arith.constant 0 : index
    %get3A_87 = arith.constant 0 : index
    %get3A_88 = vector.load %arg5[%get3A_86, %get3A_87] : memref<1x2048xf32, #tpu.memory_space<vmem>>, vector<1x2048xf32>
    %mul3A_89 = vector.broadcast %get3A_88 : vector<1x2048xf32> to vector<512x2048xf32>
    %mul3A_90 = vector.broadcast %div3A_60 : vector<512x1xf32> to vector<512x2048xf32>
    %mul3A_91 = arith.mulf %mul3A_89, %mul3A_90 : vector<512x2048xf32>
    %sub3A = arith.subf %mul3A_85, %mul3A_91 : vector<512x2048xf32>
    %mul3A_92 = vector.broadcast %convert_element_type3A_76 : vector<1x2048xf32> to vector<512x2048xf32>
    %mul3A_93 = vector.broadcast %add3A_69 : vector<512x1xf32> to vector<512x2048xf32>
    %mul3A_94 = arith.mulf %mul3A_92, %mul3A_93 : vector<512x2048xf32>
    %add3A_95 = arith.addf %sub3A, %mul3A_94 : vector<512x2048xf32>
    %exp3A_96 = math.exp %add3A_95 : vector<512x2048xf32>
    %mul3A_97 = vector.broadcast %get3A_79 : vector<1x2048xf32> to vector<512x2048xf32>
    %mul3A_98 = arith.mulf %mul3A_97, %exp3A_96 : vector<512x2048xf32>
    %iota3A = tpu.iota {dimensions = array<i32: 0>} : vector<1024x2048xi32>
    %get3A_99 = arith.constant 0 : index
    %get3A_100 = arith.constant 0 : index
    %get3A_101 = vector.load %arg7[%get3A_99, %get3A_100] : memref<1x2048xi32, #tpu.memory_space<vmem>>, vector<1x2048xi32>
    %eq3A_102 = vector.broadcast %get3A_101 : vector<1x2048xi32> to vector<1024x2048xi32>
    %eq3A_103 = arith.cmpi eq, %iota3A, %eq3A_102 : vector<1024x2048xi32>
    %convert_element_type3A_104 = arith.extui %eq3A_103 : vector<1024x2048xi1> to vector<1024x2048xi32>
    %convert_element_type3A_105 = arith.sitofp %convert_element_type3A_104 : vector<1024x2048xi32> to vector<1024x2048xf32>
    %get3A_106 = arith.constant 0 : index
    %get3A_107 = arith.constant 0 : index
    %get3A_108 = vector.load %arg8[%get3A_106, %get3A_107] : memref<1x2048xi32, #tpu.memory_space<vmem>>, vector<1x2048xi32>
    %eq3A_109 = vector.broadcast %get3A_108 : vector<1x2048xi32> to vector<1024x2048xi32>
    %eq3A_110 = arith.cmpi eq, %iota3A, %eq3A_109 : vector<1024x2048xi32>
    %convert_element_type3A_111 = arith.extui %eq3A_110 : vector<1024x2048xi1> to vector<1024x2048xi32>
    %convert_element_type3A_112 = arith.sitofp %convert_element_type3A_111 : vector<1024x2048xi32> to vector<1024x2048xf32>
    %get3A_113 = arith.constant 0 : index
    %get3A_114 = arith.constant 0 : index
    %get3A_115 = vector.load %arg2[%get3A_113, %get3A_114] : memref<512x1024xf32, #tpu.memory_space<vmem>>, vector<512x1024xf32>
    %dot_general3A_116 = arith.constant dense<0.000000e+00> : vector<512x2048xf32>
    %dot_general3A_117 = tpu.matmul %get3A_115, %convert_element_type3A_105, %dot_general3A_116 {dimension_numbers = #tpu.dot_dimension_numbers<[1], [0], [0], [1], [0, 0, 1, 1], [], []>, transpose_lhs_hint = false} : vector<512x1024xf32>, vector<1024x2048xf32>, vector<512x2048xf32> -> vector<512x2048xf32>
    %get3A_118 = arith.constant 0 : index
    %get3A_119 = arith.constant 0 : index
    %get3A_120 = vector.load %arg2[%get3A_118, %get3A_119] : memref<512x1024xf32, #tpu.memory_space<vmem>>, vector<512x1024xf32>
    %dot_general3A_121 = arith.constant dense<0.000000e+00> : vector<512x2048xf32>
    %dot_general3A_122 = tpu.matmul %get3A_120, %convert_element_type3A_112, %dot_general3A_121 {dimension_numbers = #tpu.dot_dimension_numbers<[1], [0], [0], [1], [0, 0, 1, 1], [], []>, transpose_lhs_hint = false} : vector<512x1024xf32>, vector<1024x2048xf32>, vector<512x2048xf32> -> vector<512x2048xf32>
    %mul3A_123 = vector.broadcast %convert_element_type3A_76 : vector<1x2048xf32> to vector<512x2048xf32>
    %mul3A_124 = arith.mulf %mul3A_123, %dot_general3A_122 : vector<512x2048xf32>
    %sub3A_125 = arith.constant 1.000000e+00 : f32
    %sub3A_126 = vector.broadcast %sub3A_125 : f32 to vector<1x2048xf32>
    %sub3A_127 = arith.subf %sub3A_126, %convert_element_type3A_76 : vector<1x2048xf32>
    %add3A_128 = vector.broadcast %sub3A_127 : vector<1x2048xf32> to vector<512x2048xf32>
    %add3A_129 = arith.addf %mul3A_124, %add3A_128 : vector<512x2048xf32>
    %get3A_130 = arith.constant 0 : index
    %get3A_131 = arith.constant 0 : index
    %get3A_132 = vector.load %arg6[%get3A_130, %get3A_131] : memref<1x2048xf32, #tpu.memory_space<vmem>>, vector<1x2048xf32>
    %mul3A_133 = vector.broadcast %get3A_132 : vector<1x2048xf32> to vector<512x2048xf32>
    %mul3A_134 = vector.broadcast %log3A : vector<512x1xf32> to vector<512x2048xf32>
    %mul3A_135 = arith.mulf %mul3A_133, %mul3A_134 : vector<512x2048xf32>
    %exp3A_136 = math.exp %mul3A_135 : vector<512x2048xf32>
    %sub3A_137 = arith.constant 1.000000e+00 : f32
    %sub3A_138 = vector.broadcast %sub3A_137 : f32 to vector<512x2048xf32>
    %sub3A_139 = arith.subf %exp3A_136, %sub3A_138 : vector<512x2048xf32>
    %div3A_140 = vector.broadcast %get3A_132 : vector<1x2048xf32> to vector<512x2048xf32>
    %div3A_141 = arith.divf %sub3A_139, %div3A_140 : vector<512x2048xf32>
    %mul3A_142 = arith.mulf %mul3A_98, %dot_general3A_117 : vector<512x2048xf32>
    %mul3A_143 = arith.mulf %mul3A_142, %add3A_129 : vector<512x2048xf32>
    %mul3A_144 = arith.mulf %mul3A_143, %div3A_141 : vector<512x2048xf32>
    %get3A_145 = arith.constant 0 : index
    %get3A_146 = arith.constant 0 : index
    %get3A_147 = vector.load %arg9[%get3A_145, %get3A_146] : memref<1x2048xi32, #tpu.memory_space<vmem>>, vector<1x2048xi32>
    %eq3A_148 = vector.broadcast %get3A_147 : vector<1x2048xi32> to vector<1024x2048xi32>
    %eq3A_149 = arith.cmpi eq, %iota3A, %eq3A_148 : vector<1024x2048xi32>
    %convert_element_type3A_150 = arith.extui %eq3A_149 : vector<1024x2048xi1> to vector<1024x2048xi32>
    %convert_element_type3A_151 = arith.sitofp %convert_element_type3A_150 : vector<1024x2048xi32> to vector<1024x2048xf32>
    %sub3A_152 = arith.subf %convert_element_type3A_151, %convert_element_type3A_105 : vector<1024x2048xf32>
    %mul3A_153 = vector.broadcast %convert_element_type3A_76 : vector<1x2048xf32> to vector<1024x2048xf32>
    %mul3A_154 = arith.mulf %mul3A_153, %convert_element_type3A_112 : vector<1024x2048xf32>
    %sub3A_155 = arith.subf %sub3A_152, %mul3A_154 : vector<1024x2048xf32>
    %get3A_156 = arith.constant 0 : index
    %get3A_157 = arith.constant 0 : index
    %get3A_158 = vector.load %arg15[%get3A_156, %get3A_157] : memref<512x1024xf32, #tpu.memory_space<vmem>>, vector<512x1024xf32>
    %dot_general3A_159 = arith.constant dense<0.000000e+00> : vector<512x1024xf32>
    %dot_general3A_160 = tpu.matmul %mul3A_144, %sub3A_155, %dot_general3A_159 {dimension_numbers = #tpu.dot_dimension_numbers<[1], [1], [0], [0], [0, 0, 1, 0], [], []>, transpose_lhs_hint = false} : vector<512x2048xf32>, vector<1024x2048xf32>, vector<512x1024xf32> -> vector<512x1024xf32>
    %add3A_161 = arith.addf %get3A_158, %dot_general3A_160 : vector<512x1024xf32>
    %swap3A = arith.constant 0 : index
    %swap3A_162 = arith.constant 0 : index
    %swap3A_163 = vector.load %arg15[%swap3A, %swap3A_162] : memref<512x1024xf32, #tpu.memory_space<vmem>>, vector<512x1024xf32>
    tpu.vector_store %arg15[%swap3A, %swap3A_162], %add3A_161 {strides = array<i32>} : memref<512x1024xf32, #tpu.memory_space<vmem>>, vector<512x1024xf32>,
    return
  }
  func.func @transform_0(%arg0: i32) -> (i32, i32) {
    %c0_i32 = arith.constant 0 : i32
    %c0_i32_0 = arith.constant 0 : i32
    %c0_i32_1 = arith.constant 0 : i32
    return %c0_i32, %c0_i32_0 : i32, i32
  }
  func.func @transform_1(%arg0: i32) -> (i32, i32) {
    %c0_i32 = arith.constant 0 : i32
    %c0_i32_0 = arith.constant 0 : i32
    %c0_i32_1 = arith.constant 0 : i32
    return %c0_i32, %c0_i32_0 : i32, i32
  }
  func.func @transform_2(%arg0: i32) -> (i32, i32) {
    %c0_i32 = arith.constant 0 : i32
    %c0_i32_0 = arith.constant 0 : i32
    return %c0_i32, %arg0 : i32, i32
  }
  func.func @transform_3(%arg0: i32) -> (i32, i32) {
    %c0_i32 = arith.constant 0 : i32
    %c0_i32_0 = arith.constant 0 : i32
    return %c0_i32, %arg0 : i32, i32
  }
  func.func @transform_4(%arg0: i32) -> (i32, i32) {
    %c0_i32 = arith.constant 0 : i32
    %c0_i32_0 = arith.constant 0 : i32
    return %c0_i32, %arg0 : i32, i32
  }
  func.func @transform_5(%arg0: i32) -> (i32, i32) {
    %c0_i32 = arith.constant 0 : i32
    %c0_i32_0 = arith.constant 0 : i32
    return %c0_i32, %arg0 : i32, i32
  }
  func.func @transform_6(%arg0: i32) -> (i32, i32) {
    %c0_i32 = arith.constant 0 : i32
    %c0_i32_0 = arith.constant 0 : i32
    return %c0_i32, %arg0 : i32, i32
  }
  func.func @transform_7(%arg0: i32) -> (i32, i32) {
    %c0_i32 = arith.constant 0 : i32
    %c0_i32_0 = arith.constant 0 : i32
    return %c0_i32, %arg0 : i32, i32
  }
  func.func @transform_8(%arg0: i32) -> (i32, i32) {
    %c0_i32 = arith.constant 0 : i32
    %c0_i32_0 = arith.constant 0 : i32
    return %c0_i32, %arg0 : i32, i32
  }
  func.func @transform_9(%arg0: i32) -> (i32, i32) {
    %c0_i32 = arith.constant 0 : i32
    %c0_i32_0 = arith.constant 0 : i32
    return %c0_i32, %arg0 : i32, i32
  }
  func.func @transform_10(%arg0: i32) -> (i32, i32) {
    %c0_i32 = arith.constant 0 : i32
    %c0_i32_0 = arith.constant 0 : i32
    %c0_i32_1 = arith.constant 0 : i32
    return %c0_i32, %c0_i32_0 : i32, i32
  }
  func.func @transform_11(%arg0: i32) -> (i32, i32) {
    %c0_i32 = arith.constant 0 : i32
    %c0_i32_0 = arith.constant 0 : i32
    %c0_i32_1 = arith.constant 0 : i32
    return %c0_i32, %c0_i32_0 : i32, i32
  }
  func.func @transform_12(%arg0: i32) -> (i32, i32) {
    %c0_i32 = arith.constant 0 : i32
    %c0_i32_0 = arith.constant 0 : i32
    %c0_i32_1 = arith.constant 0 : i32
    return %c0_i32, %c0_i32_0 : i32, i32
  }
  func.func @transform_13(%arg0: i32) -> (i32, i32) {
    %c0_i32 = arith.constant 0 : i32
    %c0_i32_0 = arith.constant 0 : i32
    %c0_i32_1 = arith.constant 0 : i32
    return %c0_i32, %c0_i32_0 : i32, i32
  }
  func.func @transform_14(%arg0: i32) -> (i32, i32) {
    %c0_i32 = arith.constant 0 : i32
    %c0_i32_0 = arith.constant 0 : i32
    %c0_i32_1 = arith.constant 0 : i32
    return %c0_i32, %c0_i32_0 : i32, i32
  }
}

</mosaic_0001>

<sc_bundles>
// kernel: kernel.6.cloned.1.call-start
scs
__scs_entry_jumppad:
0x0: {  	(pc) =	sbr.rel $0x88, $3  }
0x1: {  	(tag) =	ssettag $0x0;
	lr =	simm.s32 $0x1  }
0x2: {  	[smem:$0x3F91] =	sst lr;
	_ =	strace $0xD0000000  }
0x3: {  	_ = 	snop  }
0x4: {  	_ = 	snop  }
0x5: {  	_ = 	snop  }
0x6: {  	_ = 	snop  }
0x7: {  	_ = 	snop  }
__scs_overlays_trampoline_lowered:
0x8: {  	[smem:$0x3FA0] =	sst s0  }
0x9: {  	[smem:$0x3FA1] =	sst s1  }
0xa: {  	[smem:$0x3FA2] =	sst s2  }
0xb: {  	[smem:$0x3FA3] =	sst s3  }
0xc: {  	[smem:$0x3FA4] =	sst s4  }
0xd: {  	[smem:$0x3FA5] =	sst s5  }
0xe: {  	[smem:$0x3FA6] =	sst s6  }
0xf: {  	[smem:$0x3FA7] =	sst s7  }
0x10: {  	[smem:$0x3FA8] =	sst s8  }
0x11: {  	[smem:$0x3FA9] =	sst s9;
	s0 =	simm.s32 @!p0 $0x0  }
0x12: {  	s1 =	sld [smem:$0x3F8F];
	s0 =	simm.s32 @p0 $0x1  }
0x13: {  	[smem:$0x3FAA] =	sst s0;
	s0 =	simm.s32 @!p1 $0x0  }
0x14: {  	s2 =	sld [smem:$0x3F8E];
	s0 =	simm.s32 @p1 $0x1  }
0x15: {  	[smem:$0x3FAB] =	sst s0;
	s0 =	simm.s32 @!p2 $0x0  }
0x16: {  	s3 =	sld [smem:$0x3FDB];
	s0 =	simm.s32 @p2 $0x1  }
0x17: {  	s4 =	simm.s32 $0x1BF5;
	[smem:$0x3FAD] =	sst s0  }
0x18: {  	s0 =	sld [smem:$0x3F90];
	_ =	swait.ge [sflag:s4], $0x0  }
0x19: {  	s7 =	sld [smem:$0x3F91]  }
0x1a: {  	s8 =	sadd.s32 $0xFFFFE003, lr  }
0x1b: {  	s9 =	sadd.s32 $0xFFFFFEF7, lr;
	s5 =	simm.s32 $0xFFFFFFFF;
	p2 =	slt.u32 s8, $0xFFFFF086  }
0x1c: {  	p1 =	slt.u32 s9, $0xF7A;
	s5 =	simm.s32 @!p2 $0x0  }
0x1d: {  	s5 =	simm.s32 @p1 $0x1;
	p0 =	seq.s32 s7, s2  }
0x1e: {  	s7 =	smul.u32 @!p0 $0xF7A, s2;
	p2 =	seq.s32 @!p0 s5, $0x0  }
0x1f: {  	s9 =	smul.u32 $0xF7A, s1;
	s8 =	simm.s32 @!p0 $0x1BF5;
	p2 =	por !p2, p0  }
0x20: {  	[sflag:s8] =	ssyncset.s32 @!p0 $0xFFFFF086;
	s6 =	sadd.s32 @!p0 s3, s7;
	s7 =	simm.s32 @!p0 $0x108  }
0x21: {  	s3 =	sadd.s32 s3, s9;
	s6 =	sadd.s32 @!p0 $0x88, s6;
	s7 =	simm.s32 @p2 $0x1082  }
0x22: {  	[simem:s7], [sflag:s8] =	dma.local @!p0 [hbm:s6], $0xF7A  }
0x23: {  	s9 =	sor.u32 $0xD0000000, s2;
	s6 =	simm.s32 $0x108;
	_ =	swait.ge @!p0 [sflag:s8], $0x0  }
0x24: {  	s3 =	sadd.s32 $0x88, s3;
	s6 =	simm.s32 @!p1 $0x1082;
	[sflag:s4] =	ssyncset.s32 $0xFFFFF086  }
0x25: {  	[simem:s6], [sflag:s4] =	dma.local [hbm:s3], $0xF7A  }
0x26: {  	[smem:$0x3F91] =	sst s1;
	(tag) =	ssettag s2;
	_ =	strace s9  }
0x27: {  	s1 =	sld [smem:$0x3FA1]  }
0x28: {  	s2 =	sld [smem:$0x3FA2]  }
0x29: {  	s4 =	sld [smem:$0x3FA4]  }
0x2a: {  	p0 =	seq.s32 s5, $0x0;
	s5 =	sld [smem:$0x3FA5]  }
0x2b: {  	s6 =	sld [smem:$0x3FA6]  }
0x2c: {  	s7 =	sld [smem:$0x3FA7]  }
0x2d: {  	s3 =	simm.s32 $0x108;
	s8 =	sld [smem:$0x3FA8]  }
0x2e: {  	s3 =	simm.s32 @!p0 $0x1082;
	s9 =	sld [smem:$0x3FA9]  }
0x2f: {  	lr =	sadd.s32 s0, s3;
	s0 =	sld [smem:$0x3FA0]  }
0x30: {  	s3 =	sld [smem:$0x3FA3]  }
0x31: {  	[smem:$0x3FAC] =	sst s10  }
0x32: {  	s10 =	sld [smem:$0x3FAA];
	_ =	sdelay $0x3  }
0x33: {  	p0 =	seq.s32 s10, $0x1;
	s10 =	sld [smem:$0x3FAC];
	_ =	sdelay $0x3  }
0x34: {  	[smem:$0x3FAC] =	sst s10  }
0x35: {  	s10 =	sld [smem:$0x3FAB];
	_ =	sdelay $0x3  }
0x36: {  	p1 =	seq.s32 s10, $0x1;
	s10 =	sld [smem:$0x3FAC];
	_ =	sdelay $0x3  }
0x37: {  	[smem:$0x3FAC] =	sst s10  }
0x38: {  	s10 =	sld [smem:$0x3FAD]  }
0x39: {  	_ = 	snop;
	(pc) =	sbr.ind lr, $3  }
0x3a: {  	_ = 	snop  }
0x3b: {  	_ = 	snop  }
0x3c: {  	p2 =	seq.s32 s10, $0x1;
	s10 =	sld [smem:$0x3FAC]  }
0x3d: {  	_ =	shalt  }
0x3e: {  	_ =	shalt  }
0x3f: {  	_ =	shalt  }
0x40: {  	_ =	shalt  }
0x41: {  	_ =	shalt  }
0x42: {  	_ =	shalt  }
0x43: {  	_ =	shalt  }
0x44: {  	_ =	shalt  }
0x45: {  	_ =	shalt  }
0x46: {  	_ =	shalt  }
0x47: {  	_ =	shalt  }
0x48: {  	_ =	shalt  }
0x49: {  	_ =	shalt  }
0x4a: {  	_ =	shalt  }
0x4b: {  	_ =	shalt  }
0x4c: {  	_ =	shalt  }
0x4d: {  	_ =	shalt  }
0x4e: {  	_ =	shalt  }
0x4f: {  	_ =	shalt  }
0x50: {  	_ =	shalt  }
0x51: {  	_ =	shalt  }
0x52: {  	_ =	shalt  }
0x53: {  	_ =	shalt  }
0x54: {  	_ =	shalt  }
0x55: {  	_ =	shalt  }
0x56: {  	_ =	shalt  }
0x57: {  	_ =	shalt  }
0x58: {  	_ =	shalt  }
0x59: {  	_ =	shalt  }
0x5a: {  	_ =	shalt  }
0x5b: {  	_ =	shalt  }
0x5c: {  	_ =	shalt  }
0x5d: {  	_ =	shalt  }
0x5e: {  	_ =	shalt  }
0x5f: {  	_ =	shalt  }
0x60: {  	_ =	shalt  }
0x61: {  	_ =	shalt  }
0x62: {  	_ =	shalt  }
0x63: {  	_ =	shalt  }
0x64: {  	_ =	shalt  }
0x65: {  	_ =	shalt  }
0x66: {  	_ =	shalt  }
0x67: {  	_ =	shalt  }
0x68: {  	_ =	shalt  }
0x69: {  	_ =	shalt  }
0x6a: {  	_ =	shalt  }
0x6b: {  	_ =	shalt  }
0x6c: {  	_ =	shalt  }
0x6d: {  	_ =	shalt  }
0x6e: {  	_ =	shalt  }
0x6f: {  	_ =	shalt  }
0x70: {  	_ =	shalt  }
0x71: {  	_ =	shalt  }
0x72: {  	_ =	shalt  }
0x73: {  	_ =	shalt  }
0x74: {  	_ =	shalt  }
0x75: {  	_ =	shalt  }
0x76: {  	_ =	shalt  }
0x77: {  	_ =	shalt  }
0x78: {  	_ =	shalt  }
0x79: {  	_ =	shalt  }
0x7a: {  	_ =	shalt  }
0x7b: {  	_ =	shalt  }
0x7c: {  	_ =	shalt  }
0x7d: {  	_ =	shalt  }
0x7e: {  	_ =	shalt  }
0x7f: {  	_ =	shalt  }
0x80: {  	_ =	shalt  }
0x81: {  	_ =	shalt  }
0x82: {  	_ =	shalt  }
0x83: {  	_ =	shalt  }
0x84: {  	_ =	shalt  }
0x85: {  	_ =	shalt  }
0x86: {  	_ =	shalt  }
0x87: {  	_ =	shalt  }
.Lfunc_end0:
.L_simem_size_0:
called_computation_lowered:
.L_overlay_start_0:
0x88: {  	s2 =	sld [smem:$0x3FD9]  }
0x89: {  	s3 =	sld [smem:$0x3FFE];
	_ =	sdelay $0x1  }
0x8a: {  	s1 =	srdreg.scid  }
0x8b: {  	s0 =	sand.u32 $0x1, s1  }
0x8c: {  	s17 =	sshll.u32 s0, $0xA;
	s2 =	sadd.s32 s3, s2  }
0x8d: {  	s2 =	sadd.s32 s2, s17  }
0x8e: {  	[smem:$0x3FB8] =	sst s2  }
0x8f: {  	_ = 	snop  }
0x90: {  	s2 =	sld [smem:$0x3FBA]  }
0x91: {  	s18 =	sld [smem:$0x3FD0];
	(tm) =	ssettm $0x1  }
0x92: {  	s4 =	sld [smem:$0x3FFB];
	_ =	sdelay $0x3  }
0x93: {  	_ =	strace s4  }
0x94: {  	s4 =	sld [smem:$0x3FFC];
	_ =	sdelay $0x3  }
0x95: {  	_ =	strace s4  }
0x96: {  	s4 =	sld [smem:$0x3FFD];
	_ =	sdelay $0x3  }
0x97: {  	_ =	strace s4  }
0x98: {  	_ =	strace $0x8FFFFFFF  }
0x99: {  	s19 =	sld [smem:$0x3FDB];
	_ =	sdelay $0x1  }
0x9a: {  	s5 =	simm.s32 $_scs_section_size  }
0x9b: {  	s6 =	simm.s32 $_size__tile_overlayer_lowered;
	s7 =	simm.s32 $_tile_overlayer_lowered  }
0x9c: {  	s22 =	simm.s32 $0x1BFF;
	s21 =	sshll.u32 s7, $0x1;
	s4 =	sadd.s32 s5, s19  }
0x9d: {  	s8 =	simm.s32 $0x0;
	s20 =	sshll.u32 s6, $0x1;
	s6 =	sadd.s32 s21, s4  }
0x9e: {  	[timem:s8], [sflag:s22] =	dma.local [hbm:s6], s20  }
0x9f: {  	_ =	swait.ge [sflag:s22], s20  }
0xa0: {  	s5 =	ssub.s32 $0x0, s20;
	[sflag:s22] =	ssyncset.done $0x0  }
0xa1: {  	[sflag:s22] =	ssyncadd.s32 s5;
	_ =	sdelay $0x1  }
0xa2: {  	s23 =	simm.s32 $0x1B8B  }
0xa3: {  	_ =	swait.ge [sflag:s23], $0x1  }
0xa4: {  	[sflag:s23] =	ssyncset.done $0x0  }
0xa5: {  	s25 =	simm.s32 $0x1B8E;
	s24 =	sld [smem:$0x3FFE];
	[sflag:s23] =	ssyncadd.s32 $0xFFFFFFFF  }
0xa6: {  	s26 =	simm.s32 $execute0_lowered;
	[smem:$0x3FD2] =	sst s25  }
0xa7: {  	s6 =	sshll.u32 s26, $0x1;
	_ =	strace $0x80000046;
	[dreg:$0x1] =	wrdreg $0xFFFFFFFF  }
0xa8: {  	s28 =	simm.s32 $_size_execute0_lowered;
	s4 =	sadd.s32 s4, s6;
	[dreg:$0x0] =	wrdreg $0x0  }
0xa9: {  	s6 =	sshll.u32 s28, $0x1;
	[dreg:$0x2] =	wrdreg s4  }
0xaa: {  	[dreg:$0x3] =	wrdreg s6  }
0xab: {  	[dreg:$0x4] =	wrdreg $0xC0  }
0xac: {  	_ =	task [dreg:s8], $0x5FFFF  }
0xad: {  	[dreg:$0x1] =	wrdreg $0xFFFFFFFF  }
0xae: {  	[dreg:$0x0] =	wrdreg $0x60  }
0xaf: {  	[dreg:$0x2] =	wrdreg s18  }
0xb0: {  	[dreg:$0x3] =	wrdreg s24  }
0xb1: {  	[dreg:$0x4] =	wrdreg s2  }
0xb2: {  	[dreg:$0x5] =	wrdreg $0x9  }
0xb3: {  	_ =	task.clear_ibuf [dreg:s8], $0x6FFFF;
	_ =	strace $0x90000046  }
0xb4: {  	s29 =	simm.s32 $0x9;
	_ =	strace $0x80000048  }
0xb5: {  	_ =	swait.ge [sflag:s29], $0x1  }
0xb6: {  	[sflag:s29] =	ssyncadd.s32 $0xFFFFFFFF  }
0xb7: {  	_ =	strace $0x90000048  }
0xb8: {  	_ =	sfence  }
0xb9: {  	s30 =	sld [smem:$0x0];
	_ =	sdelay $0x2  }
0xba: {  	s31 =	sshll.u32 s1, $0xD;
	s1 =	sshrl.u32 s1, $0x2  }
0xbb: {  	s3 =	sand.u32 $0x4000, s31;
	s1 =	sadd.s32 s1, s30  }
0xbc: {  	s0 =	sor.u32 s3, s0;
	s1 =	sshll.u32 s1, $0x11  }
0xbd: {  	s0 =	sor.u32 s1, s0  }
0xbe: {  	s0 =	sadd.s32 $0x8F2B, s0  }
0xbf: {  	[sflag:s0] =	ssyncadd.remote.s32 $0x1  }
0xc0: {  	_ =	sfence.sel $0xFFFF  }
0xc1: {  	[dreg:$0x0] =	wrdreg $0xFFFFFFFF;
	(pc) =	sbr.abs _section_cstart, $3  }
0xc2: {  	[dreg:$0x1] =	wrdreg $0xFFFFFFFF  }
0xc3: {  	_ =	task.clear_ibuf [dreg:s8], $0x2FFFF;
	_ =	strace $0x9FFFFFFF  }
0xc4: {  	(tm) =	ssettm $0x7FFFFFFF  }
0xc5: {  	_ =	shalt  }
tec
execute0_lowered:
.L_overlay_start_1:
0x0: {  	(tag) =	ssettag $0x1  }
0x1: {  	s2 =	rddreg [dreg:$0x0]  }
0x2: {  	s20 =	rddreg [dreg:$0x1]  }
0x3: {  	s4 =	rddreg [dreg:$0x2];
	s3 =	srdreg.scid  }
0x4: {  	s0 =	rddreg [dreg:$0x3];
	s1 =	stileid.u32;
	s21 =	sand.u32 $0x1, s3  }
0x5: {  	s3 =	simm.s32 $0x0;
	s5 =	sshll.u32 s1, $0x5;
	s6 =	sshll.u32 s21, $0x4  }
0x6: {  	[smem:$0x7FF] =	sst s3;
	s8 =	sor.u32 s6, s5  }
0x7: {  	_ =	strace $0x80000047;
	s5 =	sadd.s32 s4, s8;
	s4 =	simm.s32 $0x2  }
0x8: {  	[tilespmem:s3], [sflag:$0x2] =	stream.linear.gather [hbm4b:s5+s3], $0x80, $0x38;
	[tilespmem:$0x180] =	vst v63  }
0x9: {  	_ =	swait.ge [sflag:s4], $0x80  }
0xa: {  	[sflag:s4] =	ssyncset.done $0x0  }
0xb: {  	s7 =	simm.s32 $0x1;
	s6 =	simm.s32 $0x80;
	[sflag:s4] =	ssyncadd.s32 $0xFFFFFF80  }
0xc: {  	[tilespmem:s6], [sflag:$0x1] =	stream.indirect.gather [hbm4b:s2+s6], $0x1, s3, s6, $0xb8;
	[tilespmem:$0x180] =	vst v63  }
0xd: {  	_ =	swait.ge [sflag:s7], $0x80  }
0xe: {  	s22 =	sadd.s32 s8, s20;
	[sflag:s7] =	ssyncset.done $0x0  }
0xf: {  	s8 =	sadd.s32 $0x9E00, s22;
	[sflag:s7] =	ssyncadd.s32 $0xFFFFFF80  }
0x10: {  	[hbm4b:s8+s3] =	stream.linear.scatter [tilespmem:s6], [sflag:$0x2], $0x80, $0x38;
	[tilespmem:$0x180] =	vst v63  }
0x11: {  	_ =	swait.ge [sflag:s4], $0x80  }
0x12: {  	[sflag:s4] =	ssyncset.done $0x0  }
0x13: {  	s9 =	sadd.s32 $0x4E00, s20;
	[sflag:s4] =	ssyncadd.s32 $0xFFFFFF80  }
0x14: {  	[tilespmem:s6], [sflag:$0x1] =	stream.indirect.gather [hbm4b:s9+s6], $0x1, s3, s6, $0xb8;
	[tilespmem:$0x180] =	vst v63  }
0x15: {  	_ =	swait.ge [sflag:s7], $0x80  }
0x16: {  	[sflag:s7] =	ssyncset.done $0x0  }
0x17: {  	s10 =	sadd.s32 $0xA000, s22;
	[sflag:s7] =	ssyncadd.s32 $0xFFFFFF80  }
0x18: {  	[hbm4b:s10+s3] =	stream.linear.scatter [tilespmem:s6], [sflag:$0x2], $0x80, $0x38;
	[tilespmem:$0x180] =	vst v63  }
0x19: {  	_ =	swait.ge [sflag:s4], $0x80  }
0x1a: {  	[sflag:s4] =	ssyncset.done $0x0  }
0x1b: {  	s11 =	sadd.s32 $0x3E00, s20;
	[sflag:s4] =	ssyncadd.s32 $0xFFFFFF80  }
0x1c: {  	[tilespmem:s6], [sflag:$0x1] =	stream.indirect.gather [hbm4b:s11+s6], $0x1, s3, s6, $0xb8;
	[tilespmem:$0x180] =	vst v63  }
0x1d: {  	_ =	swait.ge [sflag:s7], $0x80  }
0x1e: {  	[sflag:s7] =	ssyncset.done $0x0  }
0x1f: {  	s12 =	sadd.s32 $0xA200, s22;
	[sflag:s7] =	ssyncadd.s32 $0xFFFFFF80  }
0x20: {  	[hbm4b:s12+s3] =	stream.linear.scatter [tilespmem:s6], [sflag:$0x2], $0x80, $0x38;
	[tilespmem:$0x180] =	vst v63  }
0x21: {  	_ =	swait.ge [sflag:s4], $0x80  }
0x22: {  	[sflag:s4] =	ssyncset.done $0x0  }
0x23: {  	s13 =	sadd.s32 $0x8E00, s20;
	[sflag:s4] =	ssyncadd.s32 $0xFFFFFF80  }
0x24: {  	[tilespmem:s6], [sflag:$0x1] =	stream.indirect.gather [hbm4b:s13+s6], $0x1, s3, s6, $0xb8;
	[tilespmem:$0x180] =	vst v63  }
0x25: {  	_ =	swait.ge [sflag:s7], $0x80  }
0x26: {  	[sflag:s7] =	ssyncset.done $0x0  }
0x27: {  	s14 =	sadd.s32 $0xA400, s22;
	[sflag:s7] =	ssyncadd.s32 $0xFFFFFF80  }
0x28: {  	[hbm4b:s14+s3] =	stream.linear.scatter [tilespmem:s6], [sflag:$0x2], $0x80, $0x38;
	[tilespmem:$0x180] =	vst v63  }
0x29: {  	_ =	swait.ge [sflag:s4], $0x80  }
0x2a: {  	[sflag:s4] =	ssyncset.done $0x0  }
0x2b: {  	s16 =	simm.s32 $0x100;
	s15 =	sadd.s32 $0x6E00, s20;
	[sflag:s4] =	ssyncadd.s32 $0xFFFFFF80  }
0x2c: {  	[tilespmem:s16], [sflag:$0x1] =	stream.indirect.gather [hbm4b:s15+s6], $0x1, s3, s6, $0xb8;
	[tilespmem:$0x180] =	vst v63  }
0x2d: {  	_ =	swait.ge [sflag:s7], $0x80  }
0x2e: {  	[sflag:s7] =	ssyncset.done $0x0  }
0x2f: {  	s17 =	sadd.s32 $0xA600, s22;
	[sflag:s7] =	ssyncadd.s32 $0xFFFFFF80  }
0x30: {  	[hbm4b:s17+s3] =	stream.linear.scatter [tilespmem:s16], [sflag:$0x2], $0x80, $0x38;
	[tilespmem:$0x180] =	vst v63  }
0x31: {  	_ =	swait.ge [sflag:s4], $0x80  }
0x32: {  	[sflag:s4] =	ssyncset.done $0x0  }
0x33: {  	s18 =	sadd.s32 $0x5E00, s20;
	[sflag:s4] =	ssyncadd.s32 $0xFFFFFF80  }
0x34: {  	[tilespmem:s16], [sflag:$0x1] =	stream.indirect.gather [hbm4b:s18+s6], $0x1, s3, s6, $0xb8;
	[tilespmem:$0x180] =	vst v63  }
0x35: {  	_ =	swait.ge [sflag:s7], $0x80  }
0x36: {  	[sflag:s7] =	ssyncset.done $0x0  }
0x37: {  	s21 =	ssub.s32 $0x2, s21;
	s19 =	sadd.s32 $0xA800, s22;
	[sflag:s7] =	ssyncadd.s32 $0xFFFFFF80  }
0x38: {  	[hbm4b:s19+s3] =	stream.linear.scatter [tilespmem:s16], [sflag:$0x2], $0x80, $0x38;
	[tilespmem:$0x180] =	vst v63  }
0x39: {  	s23 =	sshrl.u32 s21, $0x1;
	_ =	swait.ge [sflag:s4], $0x80  }
0x3a: {  	s23 =	ssub.s32 s21, s23;
	[sflag:s4] =	ssyncset.done $0x0  }
0x3b: {  	s20 =	sadd.s32 $0x7E00, s20;
	s31 =	smax.u32 s23, $0x1;
	[sflag:s4] =	ssyncadd.s32 $0xFFFFFF80  }
0x3c: {  	[tilespmem:s16], [sflag:$0x1] =	stream.indirect.gather [hbm4b:s20+s6], $0x1, s3, s6, $0xb8;
	[tilespmem:$0x180] =	vst v63  }
0x3d: {  	p0 =	sne.s32 s31, $0x1;
	_ =	swait.ge [sflag:s7], $0x80  }
.Ltmp0:
0x3e: {  	[sflag:s7] =	ssyncset.done $0x0;
	(pc) =	sbr.rel @!p0 .LBB2_2-.Ltmp0, $4  }
0x3f: {  	s21 =	sadd.s32 $0xAA00, s22;
	[sflag:s7] =	ssyncadd.s32 $0xFFFFFF80  }
0x40: {  	[hbm4b:s21+s3] =	stream.linear.scatter [tilespmem:s16], [sflag:$0x2], $0x80, $0x38;
	[tilespmem:$0x180] =	vst v63  }
0x41: {  	_ =	swait.ge [sflag:s4], $0x80  }
0x42: {  	s22 =	sadd.s32 $0xFFFFFFFF, s31;
	[sflag:s4] =	ssyncset.done $0x0  }
.LBB2_1:
0x43: {  	p0 =	sne.s32 s22, $0x1;
	s22 =	sadd.s32 $0xFFFFFFFF, s22;
	[sflag:s4] =	ssyncadd.s32 $0xFFFFFF80  }
0x44: {  	[tilespmem:s3], [sflag:$0x2] =	stream.linear.gather [hbm4b:s5+s3], $0x80, $0x38;
	[tilespmem:$0x180] =	vst v63  }
0x45: {  	_ =	swait.ge [sflag:s4], $0x80  }
0x46: {  	[sflag:s4] =	ssyncset.done $0x0  }
0x47: {  	[sflag:s4] =	ssyncadd.s32 $0xFFFFFF80  }
0x48: {  	[tilespmem:s6], [sflag:$0x1] =	stream.indirect.gather [hbm4b:s2+s6], $0x1, s3, s6, $0xb8;
	[tilespmem:$0x180] =	vst v63  }
0x49: {  	_ =	swait.ge [sflag:s7], $0x80  }
0x4a: {  	[sflag:s7] =	ssyncset.done $0x0  }
0x4b: {  	[sflag:s7] =	ssyncadd.s32 $0xFFFFFF80  }
0x4c: {  	[hbm4b:s8+s3] =	stream.linear.scatter [tilespmem:s6], [sflag:$0x2], $0x80, $0x38;
	[tilespmem:$0x180] =	vst v63  }
0x4d: {  	_ =	swait.ge [sflag:s4], $0x80  }
0x4e: {  	[sflag:s4] =	ssyncset.done $0x0  }
0x4f: {  	[sflag:s4] =	ssyncadd.s32 $0xFFFFFF80  }
0x50: {  	[tilespmem:s6], [sflag:$0x1] =	stream.indirect.gather [hbm4b:s9+s6], $0x1, s3, s6, $0xb8;
	[tilespmem:$0x180] =	vst v63  }
0x51: {  	_ =	swait.ge [sflag:s7], $0x80  }
0x52: {  	[sflag:s7] =	ssyncset.done $0x0  }
0x53: {  	[sflag:s7] =	ssyncadd.s32 $0xFFFFFF80  }
0x54: {  	[hbm4b:s10+s3] =	stream.linear.scatter [tilespmem:s6], [sflag:$0x2], $0x80, $0x38;
	[tilespmem:$0x180] =	vst v63  }
0x55: {  	_ =	swait.ge [sflag:s4], $0x80  }
0x56: {  	[sflag:s4] =	ssyncset.done $0x0  }
0x57: {  	[sflag:s4] =	ssyncadd.s32 $0xFFFFFF80  }
0x58: {  	[tilespmem:s6], [sflag:$0x1] =	stream.indirect.gather [hbm4b:s11+s6], $0x1, s3, s6, $0xb8;
	[tilespmem:$0x180] =	vst v63  }
0x59: {  	_ =	swait.ge [sflag:s7], $0x80  }
0x5a: {  	[sflag:s7] =	ssyncset.done $0x0  }
0x5b: {  	[sflag:s7] =	ssyncadd.s32 $0xFFFFFF80  }
0x5c: {  	[hbm4b:s12+s3] =	stream.linear.scatter [tilespmem:s6], [sflag:$0x2], $0x80, $0x38;
	[tilespmem:$0x180] =	vst v63  }
0x5d: {  	_ =	swait.ge [sflag:s4], $0x80  }
0x5e: {  	[sflag:s4] =	ssyncset.done $0x0  }
0x5f: {  	[sflag:s4] =	ssyncadd.s32 $0xFFFFFF80  }
0x60: {  	[tilespmem:s6], [sflag:$0x1] =	stream.indirect.gather [hbm4b:s13+s6], $0x1, s3, s6, $0xb8;
	[tilespmem:$0x180] =	vst v63  }
0x61: {  	_ =	swait.ge [sflag:s7], $0x80  }
0x62: {  	[sflag:s7] =	ssyncset.done $0x0  }
0x63: {  	[sflag:s7] =	ssyncadd.s32 $0xFFFFFF80  }
0x64: {  	[hbm4b:s14+s3] =	stream.linear.scatter [tilespmem:s6], [sflag:$0x2], $0x80, $0x38;
	[tilespmem:$0x180] =	vst v63  }
0x65: {  	_ =	swait.ge [sflag:s4], $0x80  }
0x66: {  	[sflag:s4] =	ssyncset.done $0x0  }
0x67: {  	[sflag:s4] =	ssyncadd.s32 $0xFFFFFF80  }
0x68: {  	[tilespmem:s16], [sflag:$0x1] =	stream.indirect.gather [hbm4b:s15+s6], $0x1, s3, s6, $0xb8;
	[tilespmem:$0x180] =	vst v63  }
0x69: {  	_ =	swait.ge [sflag:s7], $0x80  }
0x6a: {  	[sflag:s7] =	ssyncset.done $0x0  }
0x6b: {  	[sflag:s7] =	ssyncadd.s32 $0xFFFFFF80  }
0x6c: {  	[hbm4b:s17+s3] =	stream.linear.scatter [tilespmem:s16], [sflag:$0x2], $0x80, $0x38;
	[tilespmem:$0x180] =	vst v63  }
0x6d: {  	_ =	swait.ge [sflag:s4], $0x80  }
0x6e: {  	[sflag:s4] =	ssyncset.done $0x0  }
0x6f: {  	[sflag:s4] =	ssyncadd.s32 $0xFFFFFF80  }
0x70: {  	[tilespmem:s16], [sflag:$0x1] =	stream.indirect.gather [hbm4b:s18+s6], $0x1, s3, s6, $0xb8;
	[tilespmem:$0x180] =	vst v63  }
0x71: {  	_ =	swait.ge [sflag:s7], $0x80  }
0x72: {  	[sflag:s7] =	ssyncset.done $0x0  }
0x73: {  	[sflag:s7] =	ssyncadd.s32 $0xFFFFFF80  }
0x74: {  	[hbm4b:s19+s3] =	stream.linear.scatter [tilespmem:s16], [sflag:$0x2], $0x80, $0x38;
	[tilespmem:$0x180] =	vst v63  }
0x75: {  	_ =	swait.ge [sflag:s4], $0x80  }
0x76: {  	[sflag:s4] =	ssyncset.done $0x0  }
0x77: {  	[sflag:s4] =	ssyncadd.s32 $0xFFFFFF80  }
0x78: {  	[tilespmem:s16], [sflag:$0x1] =	stream.indirect.gather [hbm4b:s20+s6], $0x1, s3, s6, $0xb8;
	[tilespmem:$0x180] =	vst v63  }
0x79: {  	_ =	swait.ge [sflag:s7], $0x80  }
.Ltmp1:
0x7a: {  	[sflag:s7] =	ssyncset.done $0x0;
	(pc) =	sbr.rel @p0 .LBB2_1-.Ltmp1, $4  }
0x7b: {  	[sflag:s7] =	ssyncadd.s32 $0xFFFFFF80  }
0x7c: {  	[hbm4b:s21+s3] =	stream.linear.scatter [tilespmem:s16], [sflag:$0x2], $0x80, $0x38;
	[tilespmem:$0x180] =	vst v63  }
0x7d: {  	_ =	swait.ge [sflag:s4], $0x80  }
0x7e: {  	[sflag:s4] =	ssyncset.done $0x0  }
.LBB2_2:
0x7f: {  	[sflag:s4] =	ssyncadd.s32 $0xFFFFFF80  }
0x80: {  	_ =	sfence.sel $0x180000  }
0x81: {  	[bflag:$0x0] =	sbarrier.arrive $0xFFFF  }
0x82: {  	p0 =	sne.s32 s1, $0x0;
	_ =	strace $0x90000047  }
0x83: {  	s0 =	sadd.s32 @!p0 $0x100000, s0;
	[bflag:$0x2] =	sbarrier.arrive $0xFFFF  }
0x84: {  	[sflag:s0] =	ssyncadd.tile.s32 @!p0 $0x1;
	_ =	shalt  }
.Lfunc_end2:
_tile_overlayer_lowered:
.L_overlay_start_2:
0x85: {  	(tag) =	ssettag $0x2  }
0x86: {  	s0 =	rddreg [dreg:$0x0];
	s2 =	stileid.u32  }
0x87: {  	s1 =	rddreg [dreg:$0x1];
	p0 =	sne.s32 s2, $0x0  }
0x88: {  	s3 =	rddreg [dreg:$0x2];
	[bflag:$0x3] =	sbarrier.arrive $0xFFFF;
	s2 =	simm.s32 @!p0 $0x1C02  }
0x89: {  	[timem:s3], [sflag:s2] =	dma.local @!p0 [hbm:s0], s1  }
0x8a: {  	s0 =	simm.s32 @!p0 $0x2  }
0x8b: {  	_ =	swait.ge @!p0 [sflag:s0], s1  }
0x8c: {  	s1 =	ssub.s32 @!p0 $0x0, s1;
	[sflag:s0] =	ssyncset.done @!p0 $0x0  }
0x8d: {  	[sflag:s0] =	ssyncadd.s32 @!p0 s1  }
0x8e: {  	[bflag:$0x3] =	sbarrier.arrive $0xFFFF  }
0x8f: {  	_ =	shalt  }

</sc_bundles>
